<compile_context>
chip_gen: v7x
topology: tpu7x:2x2x1
jax: 0.10.2.dev20260603
libtpu: 0.0.44.dev20260713+nightly
codegen_flags: <defaults>
</compile_context>

<pallas_src>
import functools

import jax
import jax.numpy as jnp
from jax import lax
from jax.experimental import pallas as pl
from jax.experimental.pallas import tpu as pltpu
from jax.experimental.pallas import tpu_sc as plsc

NC = 2
NS = 16
NW = NC * NS


def _degree_counts(dst3, hi_rows):
    nblk, _, be = dst3.shape

    def body(dst_ref, m_ref):
        @pl.when(pl.program_id(0) == 0)
        def _():
            m_ref[...] = jnp.zeros_like(m_ref)

        d = dst_ref[...].reshape(1, be)
        oh_hi = (d // 128 == lax.broadcasted_iota(jnp.int32, (hi_rows, be), 0)
                 ).astype(jnp.float32)
        oh_lo = (d % 128 == lax.broadcasted_iota(jnp.int32, (128, be), 0)
                 ).astype(jnp.float32)
        m_ref[...] += lax.dot_general(oh_hi, oh_lo, (((1,), (1,)), ((), ())),
                                      preferred_element_type=jnp.float32)

    return pl.pallas_call(
        body,
        grid=(nblk,),
        in_specs=[pl.BlockSpec((1, 1, be), lambda i: (i, 0, 0))],
        out_specs=pl.BlockSpec((hi_rows, 128), lambda i: (0, 0)),
        out_shape=jax.ShapeDtypeStruct((hi_rows, 128), jnp.float32),
    )(dst3)


def _embed_stage(deg_col, idx_col, emb, W1, nb):
    n = deg_col.shape[0]
    v, d = emb.shape
    h = W1.shape[1]

    def body(deg_ref, idx_ref, emb_ref, w1_ref, dis_ref, x0_ref, y1_ref):
        deg = deg_ref[...]
        dis = jnp.where(deg > 0, lax.rsqrt(jnp.where(deg > 0, deg, 1.0)), 0.0)
        dis_ref[...] = dis
        oh = (idx_ref[...] == lax.broadcasted_iota(jnp.int32, (1, v), 1)
              ).astype(jnp.float32)
        e = emb_ref[...]
        x0_ref[...] = jnp.dot(oh, e, preferred_element_type=jnp.float32)
        t1 = jnp.dot(e, w1_ref[...], preferred_element_type=jnp.float32)
        y1 = dis * jnp.dot(oh, t1, preferred_element_type=jnp.float32)
        dh = d // 2
        y1_ref[...] = jnp.stack([y1[:, :dh], y1[:, dh:]])

    return pl.pallas_call(
        body,
        grid=(n // nb,),
        in_specs=[pl.BlockSpec((nb, 1), lambda i: (i, 0)),
                  pl.BlockSpec((nb, 1), lambda i: (i, 0)),
                  pl.BlockSpec((v, d), lambda i: (0, 0)),
                  pl.BlockSpec((d, h), lambda i: (0, 0))],
        out_specs=[pl.BlockSpec((nb, 1), lambda i: (i, 0)),
                   pl.BlockSpec((nb, d), lambda i: (i, 0)),
                   pl.BlockSpec((2, nb, h // 2), lambda i: (0, i, 0))],
        out_shape=[jax.ShapeDtypeStruct((n, 1), jnp.float32),
                   jax.ShapeDtypeStruct((n, d), jnp.float32),
                   jax.ShapeDtypeStruct((2, n, h // 2), jnp.float32)],
    )(deg_col, idx_col, emb, W1)


def _mid_stage(x0, s1, dis_col, W2, b1_row, nb):
    n, d = x0.shape
    o = W2.shape[1]
    dh = d // 2

    def body(x0_ref, s_ref, dis_ref, w2_ref, b1_ref, x1_ref, y2_ref):
        dis = dis_ref[...]
        s = s_ref[...]
        seg = jnp.concatenate([s[0], s[1]], axis=1)
        x1 = x0_ref[...] + dis * seg + b1_ref[...]
        x1_ref[...] = x1
        y2 = dis * jnp.dot(x1, w2_ref[...],
                           preferred_element_type=jnp.float32)
        y2_ref[...] = jnp.stack([y2[:, :dh], y2[:, dh:]])

    return pl.pallas_call(
        body,
        grid=(n // nb,),
        in_specs=[pl.BlockSpec((nb, d), lambda i: (i, 0)),
                  pl.BlockSpec((2, nb, dh), lambda i: (0, i, 0)),
                  pl.BlockSpec((nb, 1), lambda i: (i, 0)),
                  pl.BlockSpec((d, o), lambda i: (0, 0)),
                  pl.BlockSpec((1, d), lambda i: (0, 0))],
        out_specs=[pl.BlockSpec((nb, d), lambda i: (i, 0)),
                   pl.BlockSpec((2, nb, o // 2), lambda i: (0, i, 0))],
        out_shape=[jax.ShapeDtypeStruct((n, d), jnp.float32),
                   jax.ShapeDtypeStruct((2, n, o // 2), jnp.float32)],
    )(x0, s1, dis_col, W2, b1_row)


def _final_stage(x1, s2, dis_col, b2_row, nb):
    n, d = x1.shape
    dh = d // 2

    def body(x1_ref, s_ref, dis_ref, b2_ref, out_ref):
        s = s_ref[...]
        seg = jnp.concatenate([s[0], s[1]], axis=1)
        out_ref[...] = x1_ref[...] + dis_ref[...] * seg + b2_ref[...]

    return pl.pallas_call(
        body,
        grid=(n // nb,),
        in_specs=[pl.BlockSpec((nb, d), lambda i: (i, 0)),
                  pl.BlockSpec((2, nb, dh), lambda i: (0, i, 0)),
                  pl.BlockSpec((nb, 1), lambda i: (i, 0)),
                  pl.BlockSpec((1, d), lambda i: (0, 0))],
        out_specs=pl.BlockSpec((nb, d), lambda i: (i, 0)),
        out_shape=jax.ShapeDtypeStruct((n, d), jnp.float32),
    )(x1, s2, dis_col, b2_row)


def _segsum_sc(yh, src_p, dst_p, zeros_blk, acc_rows):
    ch = src_p.shape[1]
    dh = yh.shape[2]
    zpt = acc_rows // NS
    mesh = plsc.VectorSubcoreMesh(core_axis_name="c", subcore_axis_name="s")

    @functools.partial(
        pl.kernel,
        out_type=jax.ShapeDtypeStruct((NC, acc_rows, dh), jnp.float32),
        mesh=mesh,
        scratch_types=[
            pltpu.VMEM((ch, 128), jnp.int32),
            pltpu.VMEM((ch, 128), jnp.int32),
            pltpu.VMEM((128, dh), jnp.float32),
            pltpu.VMEM((128, dh), jnp.float32),
            pltpu.VMEM_SHARED((acc_rows, dh), jnp.float32),
            pltpu.SemaphoreType.DMA,
            pltpu.SemaphoreType.DMA,
        ],
        compiler_params=pltpu.CompilerParams(use_tc_tiling_on_sc=False),
    )
    def k(y_hbm, src_hbm, dst_hbm, z_hbm, out_hbm,
          src_v, dst_v, buf_a, buf_b, acc, sem_a, sem_b):
        c = lax.axis_index("c")
        s = lax.axis_index("s")
        yc = y_hbm.at[c]
        pltpu.sync_copy(z_hbm, acc.at[pl.ds(s * zpt, zpt)])
        pltpu.sync_copy(src_hbm.at[s], src_v)
        pltpu.sync_copy(dst_hbm.at[s], dst_v)
        plsc.subcore_barrier()

        pltpu.async_copy(yc.at[src_v.at[0]], buf_a, sem_a)

        def body(g, carry):
            j0 = 2 * g
            j1 = j0 + 1
            pltpu.async_copy(yc.at[src_v.at[j1]], buf_b, sem_b)
            pltpu.make_async_copy(yc.at[src_v.at[j0]], buf_a, sem_a).wait()
            pltpu.sync_copy(buf_a, acc.at[dst_v.at[j0]], add=True)

            @pl.when(j0 + 2 < ch)
            def _():
                pltpu.async_copy(yc.at[src_v.at[j0 + 2]], buf_a, sem_a)

            pltpu.make_async_copy(yc.at[src_v.at[j1]], buf_b, sem_b).wait()
            pltpu.sync_copy(buf_b, acc.at[dst_v.at[j1]], add=True)
            return carry

        lax.fori_loop(0, ch // 2, body, 0)
        plsc.subcore_barrier()
        pltpu.sync_copy(acc.at[pl.ds(s * zpt, zpt)],
                        out_hbm.at[c].at[pl.ds(s * zpt, zpt)])

    return k(yh, src_p, dst_p, zeros_blk)


def _split_cols(y):
    dh = y.shape[1] // 2
    return jnp.stack([y[:, :dh], y[:, dh:]])


def kernel(phoneme_indices, edge_index, emb, W1, b1, W2, b2):
    n = phoneme_indices.shape[0]
    e = edge_index.shape[1]
    d = emb.shape[1]
    h = W1.shape[1]
    o = W2.shape[1]

    idx_col = phoneme_indices.astype(jnp.int32).reshape(n, 1)
    src = edge_index[0].astype(jnp.int32)
    dst = edge_index[1].astype(jnp.int32)

    hi_rows = -(-(n + 1) // 128)
    hi_rows = -(-hi_rows // 8) * 8
    be = 10000
    nbe = -(-e // be)
    dst_deg = dst
    if nbe * be != e:
        dst_deg = jnp.concatenate(
            [dst, jnp.full((nbe * be - e,), hi_rows * 128 - 1, jnp.int32)])
    m = _degree_counts(dst_deg.reshape(nbe, 1, be), hi_rows)
    deg_col = m.reshape(-1)[:n].reshape(n, 1)

    nb = 5000
    dis_col, x0, y1 = _embed_stage(deg_col, idx_col, emb, W1, nb)

    ch = -(-e // (NS * 128))
    ch = ch + (ch % 2)
    etot = NS * ch * 128
    src_p = jnp.concatenate([src, jnp.zeros((etot - e,), jnp.int32)])
    dst_p = jnp.concatenate([dst, jnp.full((etot - e,), n, jnp.int32)])
    src_p = src_p.reshape(NS, ch, 128)
    dst_p = dst_p.reshape(NS, ch, 128)
    acc_rows = -(-(n + 1) // (NS * 8)) * (NS * 8)
    zeros_blk = jnp.zeros((acc_rows // NS, d // 2), jnp.float32)

    s1 = _segsum_sc(y1, src_p, dst_p, zeros_blk, acc_rows)

    x1, y2 = _mid_stage(x0, s1, dis_col, W2, b1.reshape(1, h), nb)

    s2 = _segsum_sc(y2, src_p, dst_p, zeros_blk, acc_rows)

    return _final_stage(x1, s2, dis_col, b2.reshape(1, o), nb)

# --- scband reference (transcript-rebuilt; emitter-appended) ---
"""Pipeline reference for scband-look-up-gcn-34763465294483 (READ-ONLY COPY).

The authoritative reference and input builder live on the scoring server;
editing this copy changes nothing except your own understanding.
"""

import jax, jax.numpy as jnp
import numpy as np

N = 10000
E = 320000
V = 256
D = 128
H = 128
O = 128


def _glorot(key, fan_in, fan_out):
    limit = float(np.sqrt(6.0 / (fan_in + fan_out)))
    return jax.random.uniform(key, (fan_in, fan_out), dtype=jnp.float32, minval=-limit, maxval=limit)


def setup_inputs(seed: int = 0) -> dict:
    key = jax.random.key(seed)
    k1, k2, k3, k4, k5 = jax.random.split(key, 5)
    phoneme_indices = jax.random.randint(k1, (N,), 0, 255, dtype=jnp.int64) if jax.config.jax_enable_x64 else jax.random.randint(k1, (N,), 0, 255).astype(jnp.int32)
    edge_index = jax.random.randint(k2, (2, E), 0, N)
    emb = _glorot(k3, V, D)  # xavier_uniform_ on nn.Embedding weight
    W1 = _glorot(k4, D, H)
    b1 = jnp.zeros((H,), dtype=jnp.float32)
    W2 = _glorot(k5, H, O)
    b2 = jnp.zeros((O,), dtype=jnp.float32)
    return {"phoneme_indices": phoneme_indices, "edge_index": edge_index, "emb": emb, "W1": W1, "b1": b1, "W2": W2, "b2": b2}


def _gcn_conv(x, edge_index, W, b):
    # GCNConv with add_self_loops=False: out = D^{-1/2} A D^{-1/2} (x W) + b
    src = edge_index[0]
    dst = edge_index[1]
    n = x.shape[0]
    h = x @ W
    deg = jax.ops.segment_sum(jnp.ones((edge_index.shape[1],), dtype=x.dtype), dst, num_segments=n)
    deg_inv_sqrt = jnp.where(deg > 0, 1.0 / jnp.sqrt(jnp.where(deg > 0, deg, 1.0)), 0.0)
    norm = deg_inv_sqrt[src] * deg_inv_sqrt[dst]
    msgs = h[src] * norm[:, None]
    out = jax.ops.segment_sum(msgs, dst, num_segments=n)
    return out + b


def reference(phoneme_indices, edge_index, emb, W1, b1, W2, b2):
    x = jnp.take(emb, phoneme_indices, axis=0)
    residual = x
    x = _gcn_conv(x, edge_index, W1, b1)
    x = residual + x
    residual = x
    x = _gcn_conv(x, edge_index, W2, b2)
    return residual + x

if __name__ == "__main__":
    import jax
    _d = setup_inputs()
    print(jax.jit(kernel)(*tuple(_d.values())))

</pallas_src>

<mosaic_0001>
#map = affine_map<(d0, d1) -> (0, 0, 0)>
#map1 = affine_map<(d0, d1) -> (0, 0)>
module attributes {stable_mosaic.version = 14 : i64} {
  func.func @k(%arg0: i32, %arg1: i32, %arg2: memref<2x10000x64xf32, #tpu.memory_space<hbm>>, %arg3: memref<16x158x128xi32, #tpu.memory_space<hbm>>, %arg4: memref<16x158x128xi32, #tpu.memory_space<hbm>>, %arg5: memref<632x64xf32, #tpu.memory_space<hbm>>, %arg6: memref<2x10112x64xf32, #tpu.memory_space<hbm>>, %arg7: memref<158x128xi32, #tpu.memory_space<vmem>>, %arg8: memref<158x128xi32, #tpu.memory_space<vmem>>, %arg9: memref<128x64xf32, #tpu.memory_space<vmem>>, %arg10: memref<128x64xf32, #tpu.memory_space<vmem>>, %arg11: memref<10112x64xf32, #tpu.memory_space<vmem_shared>>, %arg12: memref<!tpu.dma_semaphore, #tpu.memory_space<semaphore_mem>>, %arg13: memref<!tpu.dma_semaphore, #tpu.memory_space<semaphore_mem>>) attributes {dimension_semantics = [#tpu.dimension_semantics<core_parallel>, #tpu.dimension_semantics<subcore_parallel>], iteration_bounds = array<i64: 2, 16>, scalar_prefetch = 0 : i64, scratch_operands = 7 : i64, tpu.core_type = #tpu.core_type<sc_vector_subcore>, window_params = [{transform_indices = #map}, {transform_indices = #map}, {transform_indices = #map}, {transform_indices = #map1}, {transform_indices = #map}]} {
    %mul3A = arith.constant 632 : i32
    %mul3A_0 = arith.muli %arg1, %mul3A : i32
    "tpu.region"() ({
      %run_scoped3A = tpu.sem_alloc : memref<!tpu.dma_semaphore, #tpu.memory_space<semaphore_mem>>
      %dma_start3A_21 = arith.constant 0 : i32
      %dma_start3A_22 = tpu.memref_slice %arg11[%mul3A_0, %dma_start3A_21] : memref<10112x64xf32, #tpu.memory_space<vmem_shared>> -> memref<632x64xf32, #tpu.memory_space<vmem_shared>>
      tpu.enqueue_dma source(%arg5 : memref<632x64xf32, #tpu.memory_space<hbm>>) target(%dma_start3A_22 : memref<632x64xf32, #tpu.memory_space<vmem_shared>>) target_semaphore(%run_scoped3A : memref<!tpu.dma_semaphore, #tpu.memory_space<semaphore_mem>>)
      %dma_wait3A = arith.constant 0 : i32
      %dma_wait3A_23 = tpu.memref_slice %arg11[%mul3A_0, %dma_wait3A] : memref<10112x64xf32, #tpu.memory_space<vmem_shared>> -> memref<632x64xf32, #tpu.memory_space<vmem_shared>>
      tpu.wait_dma2 semaphore(%run_scoped3A : memref<!tpu.dma_semaphore, #tpu.memory_space<semaphore_mem>>) src(%arg5 : memref<632x64xf32, #tpu.memory_space<hbm>>) dst(%dma_wait3A_23 : memref<632x64xf32, #tpu.memory_space<vmem_shared>>)
      tpu.yield
    }) : () -> ()
    "tpu.region"() ({
      %run_scoped3A = tpu.sem_alloc : memref<!tpu.dma_semaphore, #tpu.memory_space<semaphore_mem>>
      %dma_start3A_21 = arith.constant 0 : i32
      %dma_start3A_22 = arith.constant 0 : i32
      %dma_start3A_23 = tpu.memref_slice %arg3[%arg1, %dma_start3A_21, %dma_start3A_22] : memref<16x158x128xi32, #tpu.memory_space<hbm>> -> memref<1x158x128xi32, #tpu.memory_space<hbm>>
      %dma_start3A_24 = tpu.memref_squeeze %dma_start3A_23 : memref<1x158x128xi32, #tpu.memory_space<hbm>> -> memref<158x128xi32, #tpu.memory_space<hbm>>
      %dma_start3A_25 = arith.constant 0 : i32
      %dma_start3A_26 = arith.constant 0 : i32
      %dma_start3A_27 = tpu.memref_slice %arg3[%arg1, %dma_start3A_25, %dma_start3A_26] : memref<16x158x128xi32, #tpu.memory_space<hbm>> -> memref<1x158x128xi32, #tpu.memory_space<hbm>>
      %dma_start3A_28 = tpu.memref_squeeze %dma_start3A_27 : memref<1x158x128xi32, #tpu.memory_space<hbm>> -> memref<158x128xi32, #tpu.memory_space<hbm>>
      tpu.enqueue_dma source(%dma_start3A_28 : memref<158x128xi32, #tpu.memory_space<hbm>>) target(%arg7 : memref<158x128xi32, #tpu.memory_space<vmem>>) target_semaphore(%run_scoped3A : memref<!tpu.dma_semaphore, #tpu.memory_space<semaphore_mem>>)
      %dma_wait3A = arith.constant 0 : i32
      %dma_wait3A_29 = arith.constant 0 : i32
      %dma_wait3A_30 = tpu.memref_slice %arg3[%arg1, %dma_wait3A, %dma_wait3A_29] : memref<16x158x128xi32, #tpu.memory_space<hbm>> -> memref<1x158x128xi32, #tpu.memory_space<hbm>>
      %dma_wait3A_31 = tpu.memref_squeeze %dma_wait3A_30 : memref<1x158x128xi32, #tpu.memory_space<hbm>> -> memref<158x128xi32, #tpu.memory_space<hbm>>
      %dma_wait3A_32 = arith.constant 0 : i32
      %dma_wait3A_33 = arith.constant 0 : i32
      %dma_wait3A_34 = tpu.memref_slice %arg3[%arg1, %dma_wait3A_32, %dma_wait3A_33] : memref<16x158x128xi32, #tpu.memory_space<hbm>> -> memref<1x158x128xi32, #tpu.memory_space<hbm>>
      %dma_wait3A_35 = tpu.memref_squeeze %dma_wait3A_34 : memref<1x158x128xi32, #tpu.memory_space<hbm>> -> memref<158x128xi32, #tpu.memory_space<hbm>>
      tpu.wait_dma2 semaphore(%run_scoped3A : memref<!tpu.dma_semaphore, #tpu.memory_space<semaphore_mem>>) src(%dma_wait3A_35 : memref<158x128xi32, #tpu.memory_space<hbm>>) dst(%arg7 : memref<158x128xi32, #tpu.memory_space<vmem>>)
      tpu.yield
    }) : () -> ()
    "tpu.region"() ({
      %run_scoped3A = tpu.sem_alloc : memref<!tpu.dma_semaphore, #tpu.memory_space<semaphore_mem>>
      %dma_start3A_21 = arith.constant 0 : i32
      %dma_start3A_22 = arith.constant 0 : i32
      %dma_start3A_23 = tpu.memref_slice %arg4[%arg1, %dma_start3A_21, %dma_start3A_22] : memref<16x158x128xi32, #tpu.memory_space<hbm>> -> memref<1x158x128xi32, #tpu.memory_space<hbm>>
      %dma_start3A_24 = tpu.memref_squeeze %dma_start3A_23 : memref<1x158x128xi32, #tpu.memory_space<hbm>> -> memref<158x128xi32, #tpu.memory_space<hbm>>
      %dma_start3A_25 = arith.constant 0 : i32
      %dma_start3A_26 = arith.constant 0 : i32
      %dma_start3A_27 = tpu.memref_slice %arg4[%arg1, %dma_start3A_25, %dma_start3A_26] : memref<16x158x128xi32, #tpu.memory_space<hbm>> -> memref<1x158x128xi32, #tpu.memory_space<hbm>>
      %dma_start3A_28 = tpu.memref_squeeze %dma_start3A_27 : memref<1x158x128xi32, #tpu.memory_space<hbm>> -> memref<158x128xi32, #tpu.memory_space<hbm>>
      tpu.enqueue_dma source(%dma_start3A_28 : memref<158x128xi32, #tpu.memory_space<hbm>>) target(%arg8 : memref<158x128xi32, #tpu.memory_space<vmem>>) target_semaphore(%run_scoped3A : memref<!tpu.dma_semaphore, #tpu.memory_space<semaphore_mem>>)
      %dma_wait3A = arith.constant 0 : i32
      %dma_wait3A_29 = arith.constant 0 : i32
      %dma_wait3A_30 = tpu.memref_slice %arg4[%arg1, %dma_wait3A, %dma_wait3A_29] : memref<16x158x128xi32, #tpu.memory_space<hbm>> -> memref<1x158x128xi32, #tpu.memory_space<hbm>>
      %dma_wait3A_31 = tpu.memref_squeeze %dma_wait3A_30 : memref<1x158x128xi32, #tpu.memory_space<hbm>> -> memref<158x128xi32, #tpu.memory_space<hbm>>
      %dma_wait3A_32 = arith.constant 0 : i32
      %dma_wait3A_33 = arith.constant 0 : i32
      %dma_wait3A_34 = tpu.memref_slice %arg4[%arg1, %dma_wait3A_32, %dma_wait3A_33] : memref<16x158x128xi32, #tpu.memory_space<hbm>> -> memref<1x158x128xi32, #tpu.memory_space<hbm>>
      %dma_wait3A_35 = tpu.memref_squeeze %dma_wait3A_34 : memref<1x158x128xi32, #tpu.memory_space<hbm>> -> memref<158x128xi32, #tpu.memory_space<hbm>>
      tpu.wait_dma2 semaphore(%run_scoped3A : memref<!tpu.dma_semaphore, #tpu.memory_space<semaphore_mem>>) src(%dma_wait3A_35 : memref<158x128xi32, #tpu.memory_space<hbm>>) dst(%arg8 : memref<158x128xi32, #tpu.memory_space<vmem>>)
      tpu.yield
    }) : () -> ()
    %barrier3A = arith.constant 0 : index
    tpu.barrier barrier_id(%barrier3A)
    %dma_start3A = arith.constant 0 : i32
    %dma_start3A_1 = arith.constant 0 : i32
    %dma_start3A_2 = tpu.memref_slice %arg7[%dma_start3A, %dma_start3A_1] : memref<158x128xi32, #tpu.memory_space<vmem>> -> memref<1x128xi32, #tpu.memory_space<vmem>>
    %dma_start3A_3 = tpu.memref_squeeze %dma_start3A_2 : memref<1x128xi32, #tpu.memory_space<vmem>> -> memref<128xi32, #tpu.memory_space<vmem>>
    %dma_start3A_4 = arith.constant 0 : i32
    %dma_start3A_5 = arith.constant 0 : i32
    %dma_start3A_6 = tpu.memref_slice %arg2[%arg0, %dma_start3A_4, %dma_start3A_5] : memref<2x10000x64xf32, #tpu.memory_space<hbm>> -> memref<1x10000x64xf32, #tpu.memory_space<hbm>>
    %dma_start3A_7 = tpu.memref_squeeze %dma_start3A_6 : memref<1x10000x64xf32, #tpu.memory_space<hbm>> -> memref<10000x64xf32, #tpu.memory_space<hbm>>
    %dma_start3A_8 = arith.constant 0 : i32
    %dma_start3A_9 = arith.constant 0 : i32
    %dma_start3A_10 = tpu.memref_slice %dma_start3A_7[%dma_start3A_8, %dma_start3A_9] : memref<10000x64xf32, #tpu.memory_space<hbm>> -> memref<10000x64xf32, #tpu.memory_space<hbm>>
    tpu.enqueue_indirect_dma source(%dma_start3A_10 : memref<10000x64xf32, #tpu.memory_space<hbm>>) target(%arg9 : memref<128x64xf32, #tpu.memory_space<vmem>>) offsets(%dma_start3A_3 : memref<128xi32, #tpu.memory_space<vmem>>) semaphore(%arg12 : memref<!tpu.dma_semaphore, #tpu.memory_space<semaphore_mem>>)
    %scan3A = arith.constant 0 : i32
    %scan3A_11 = arith.constant 0 : i32
    %scan3A_12 = arith.constant 79 : i32
    %scan3A_13 = arith.addi %scan3A_11, %scan3A_12 : i32
    %scan3A_14 = arith.constant 1 : i32
    scf.for %scan3A_21 = %scan3A_11 to %scan3A_13 step %scan3A_14  : i32 {
      %mul3A_22 = arith.constant 2 : i32
      %mul3A_23 = arith.muli %mul3A_22, %scan3A_21 : i32
      %add3A = arith.constant 1 : i32
      %add3A_24 = arith.addi %mul3A_23, %add3A : i32
      %dma_start3A_25 = arith.constant 0 : i32
      %dma_start3A_26 = tpu.memref_slice %arg7[%add3A_24, %dma_start3A_25] : memref<158x128xi32, #tpu.memory_space<vmem>> -> memref<1x128xi32, #tpu.memory_space<vmem>>
      %dma_start3A_27 = tpu.memref_squeeze %dma_start3A_26 : memref<1x128xi32, #tpu.memory_space<vmem>> -> memref<128xi32, #tpu.memory_space<vmem>>
      %dma_start3A_28 = arith.constant 0 : i32
      %dma_start3A_29 = arith.constant 0 : i32
      %dma_start3A_30 = tpu.memref_slice %arg2[%arg0, %dma_start3A_28, %dma_start3A_29] : memref<2x10000x64xf32, #tpu.memory_space<hbm>> -> memref<1x10000x64xf32, #tpu.memory_space<hbm>>
      %dma_start3A_31 = tpu.memref_squeeze %dma_start3A_30 : memref<1x10000x64xf32, #tpu.memory_space<hbm>> -> memref<10000x64xf32, #tpu.memory_space<hbm>>
      %dma_start3A_32 = arith.constant 0 : i32
      %dma_start3A_33 = arith.constant 0 : i32
      %dma_start3A_34 = tpu.memref_slice %dma_start3A_31[%dma_start3A_32, %dma_start3A_33] : memref<10000x64xf32, #tpu.memory_space<hbm>> -> memref<10000x64xf32, #tpu.memory_space<hbm>>
      tpu.enqueue_indirect_dma source(%dma_start3A_34 : memref<10000x64xf32, #tpu.memory_space<hbm>>) target(%arg10 : memref<128x64xf32, #tpu.memory_space<vmem>>) offsets(%dma_start3A_27 : memref<128xi32, #tpu.memory_space<vmem>>) semaphore(%arg13 : memref<!tpu.dma_semaphore, #tpu.memory_space<semaphore_mem>>)
      %dma_wait3A = arith.constant 0 : i32
      %dma_wait3A_35 = tpu.memref_slice %arg7[%mul3A_23, %dma_wait3A] : memref<158x128xi32, #tpu.memory_space<vmem>> -> memref<1x128xi32, #tpu.memory_space<vmem>>
      %dma_wait3A_36 = tpu.memref_squeeze %dma_wait3A_35 : memref<1x128xi32, #tpu.memory_space<vmem>> -> memref<128xi32, #tpu.memory_space<vmem>>
      %dma_wait3A_37 = arith.constant 0 : i32
      %dma_wait3A_38 = arith.constant 0 : i32
      %dma_wait3A_39 = tpu.memref_slice %arg2[%arg0, %dma_wait3A_37, %dma_wait3A_38] : memref<2x10000x64xf32, #tpu.memory_space<hbm>> -> memref<1x10000x64xf32, #tpu.memory_space<hbm>>
      %dma_wait3A_40 = tpu.memref_squeeze %dma_wait3A_39 : memref<1x10000x64xf32, #tpu.memory_space<hbm>> -> memref<10000x64xf32, #tpu.memory_space<hbm>>
      %dma_wait3A_41 = arith.constant 0 : i32
      %dma_wait3A_42 = arith.constant 0 : i32
      %dma_wait3A_43 = tpu.memref_slice %dma_wait3A_40[%dma_wait3A_41, %dma_wait3A_42] : memref<10000x64xf32, #tpu.memory_space<hbm>> -> memref<10000x64xf32, #tpu.memory_space<hbm>>
      tpu.wait_indirect_dma semaphore(%arg12 : memref<!tpu.dma_semaphore, #tpu.memory_space<semaphore_mem>>) src(%dma_wait3A_43 : memref<10000x64xf32, #tpu.memory_space<hbm>>) dst(%arg9 : memref<128x64xf32, #tpu.memory_space<vmem>>)
      "tpu.region"() ({
        %run_scoped3A = tpu.sem_alloc : memref<!tpu.dma_semaphore, #tpu.memory_space<semaphore_mem>>
        %dma_start3A_58 = arith.constant 0 : i32
        %dma_start3A_59 = tpu.memref_slice %arg8[%mul3A_23, %dma_start3A_58] : memref<158x128xi32, #tpu.memory_space<vmem>> -> memref<1x128xi32, #tpu.memory_space<vmem>>
        %dma_start3A_60 = tpu.memref_squeeze %dma_start3A_59 : memref<1x128xi32, #tpu.memory_space<vmem>> -> memref<128xi32, #tpu.memory_space<vmem>>
        %dma_start3A_61 = arith.constant 0 : i32
        %dma_start3A_62 = arith.constant 0 : i32
        %dma_start3A_63 = tpu.memref_slice %arg11[%dma_start3A_61, %dma_start3A_62] : memref<10112x64xf32, #tpu.memory_space<vmem_shared>> -> memref<10112x64xf32, #tpu.memory_space<vmem_shared>>
        tpu.enqueue_indirect_dma source(%arg9 : memref<128x64xf32, #tpu.memory_space<vmem>>) target(%dma_start3A_63 : memref<10112x64xf32, #tpu.memory_space<vmem_shared>>) offsets(%dma_start3A_60 : memref<128xi32, #tpu.memory_space<vmem>>) semaphore(%run_scoped3A : memref<!tpu.dma_semaphore, #tpu.memory_space<semaphore_mem>>) {add = true}
        %dma_wait3A_64 = arith.constant 0 : i32
        %dma_wait3A_65 = tpu.memref_slice %arg8[%mul3A_23, %dma_wait3A_64] : memref<158x128xi32, #tpu.memory_space<vmem>> -> memref<1x128xi32, #tpu.memory_space<vmem>>
        %dma_wait3A_66 = tpu.memref_squeeze %dma_wait3A_65 : memref<1x128xi32, #tpu.memory_space<vmem>> -> memref<128xi32, #tpu.memory_space<vmem>>
        %dma_wait3A_67 = arith.constant 0 : i32
        %dma_wait3A_68 = arith.constant 0 : i32
        %dma_wait3A_69 = tpu.memref_slice %arg11[%dma_wait3A_67, %dma_wait3A_68] : memref<10112x64xf32, #tpu.memory_space<vmem_shared>> -> memref<10112x64xf32, #tpu.memory_space<vmem_shared>>
        tpu.wait_indirect_dma semaphore(%run_scoped3A : memref<!tpu.dma_semaphore, #tpu.memory_space<semaphore_mem>>) src(%arg9 : memref<128x64xf32, #tpu.memory_space<vmem>>) dst(%dma_wait3A_69 : memref<10112x64xf32, #tpu.memory_space<vmem_shared>>)
        tpu.yield
      }) : () -> ()
      %add3A_44 = arith.constant 2 : i32
      %add3A_45 = arith.addi %mul3A_23, %add3A_44 : i32
      %lt3A = arith.constant 158 : i32
      %lt3A_46 = arith.cmpi slt, %add3A_45, %lt3A : i32
      %convert_element_type3A = arith.extui %lt3A_46 : i1 to i32
      %cond3A = arith.constant 0 : i32
      %cond3A_47 = arith.cmpi ne, %convert_element_type3A, %cond3A : i32
      scf.if %cond3A_47 {
        %add3A_58 = arith.constant 2 : i32
        %add3A_59 = arith.addi %mul3A_23, %add3A_58 : i32
        %dma_start3A_60 = arith.constant 0 : i32
        %dma_start3A_61 = tpu.memref_slice %arg7[%add3A_59, %dma_start3A_60] : memref<158x128xi32, #tpu.memory_space<vmem>> -> memref<1x128xi32, #tpu.memory_space<vmem>>
        %dma_start3A_62 = tpu.memref_squeeze %dma_start3A_61 : memref<1x128xi32, #tpu.memory_space<vmem>> -> memref<128xi32, #tpu.memory_space<vmem>>
        %dma_start3A_63 = arith.constant 0 : i32
        %dma_start3A_64 = arith.constant 0 : i32
        %dma_start3A_65 = tpu.memref_slice %arg2[%arg0, %dma_start3A_63, %dma_start3A_64] : memref<2x10000x64xf32, #tpu.memory_space<hbm>> -> memref<1x10000x64xf32, #tpu.memory_space<hbm>>
        %dma_start3A_66 = tpu.memref_squeeze %dma_start3A_65 : memref<1x10000x64xf32, #tpu.memory_space<hbm>> -> memref<10000x64xf32, #tpu.memory_space<hbm>>
        %dma_start3A_67 = arith.constant 0 : i32
        %dma_start3A_68 = arith.constant 0 : i32
        %dma_start3A_69 = tpu.memref_slice %dma_start3A_66[%dma_start3A_67, %dma_start3A_68] : memref<10000x64xf32, #tpu.memory_space<hbm>> -> memref<10000x64xf32, #tpu.memory_space<hbm>>
        tpu.enqueue_indirect_dma source(%dma_start3A_69 : memref<10000x64xf32, #tpu.memory_space<hbm>>) target(%arg9 : memref<128x64xf32, #tpu.memory_space<vmem>>) offsets(%dma_start3A_62 : memref<128xi32, #tpu.memory_space<vmem>>) semaphore(%arg12 : memref<!tpu.dma_semaphore, #tpu.memory_space<semaphore_mem>>)
      } else {
      }
      %dma_wait3A_48 = arith.constant 0 : i32
      %dma_wait3A_49 = tpu.memref_slice %arg7[%add3A_24, %dma_wait3A_48] : memref<158x128xi32, #tpu.memory_space<vmem>> -> memref<1x128xi32, #tpu.memory_space<vmem>>
      %dma_wait3A_50 = tpu.memref_squeeze %dma_wait3A_49 : memref<1x128xi32, #tpu.memory_space<vmem>> -> memref<128xi32, #tpu.memory_space<vmem>>
      %dma_wait3A_51 = arith.constant 0 : i32
      %dma_wait3A_52 = arith.constant 0 : i32
      %dma_wait3A_53 = tpu.memref_slice %arg2[%arg0, %dma_wait3A_51, %dma_wait3A_52] : memref<2x10000x64xf32, #tpu.memory_space<hbm>> -> memref<1x10000x64xf32, #tpu.memory_space<hbm>>
      %dma_wait3A_54 = tpu.memref_squeeze %dma_wait3A_53 : memref<1x10000x64xf32, #tpu.memory_space<hbm>> -> memref<10000x64xf32, #tpu.memory_space<hbm>>
      %dma_wait3A_55 = arith.constant 0 : i32
      %dma_wait3A_56 = arith.constant 0 : i32
      %dma_wait3A_57 = tpu.memref_slice %dma_wait3A_54[%dma_wait3A_55, %dma_wait3A_56] : memref<10000x64xf32, #tpu.memory_space<hbm>> -> memref<10000x64xf32, #tpu.memory_space<hbm>>
      tpu.wait_indirect_dma semaphore(%arg13 : memref<!tpu.dma_semaphore, #tpu.memory_space<semaphore_mem>>) src(%dma_wait3A_57 : memref<10000x64xf32, #tpu.memory_space<hbm>>) dst(%arg10 : memref<128x64xf32, #tpu.memory_space<vmem>>)
      "tpu.region"() ({
        %run_scoped3A = tpu.sem_alloc : memref<!tpu.dma_semaphore, #tpu.memory_space<semaphore_mem>>
        %dma_start3A_58 = arith.constant 0 : i32
        %dma_start3A_59 = tpu.memref_slice %arg8[%add3A_24, %dma_start3A_58] : memref<158x128xi32, #tpu.memory_space<vmem>> -> memref<1x128xi32, #tpu.memory_space<vmem>>
        %dma_start3A_60 = tpu.memref_squeeze %dma_start3A_59 : memref<1x128xi32, #tpu.memory_space<vmem>> -> memref<128xi32, #tpu.memory_space<vmem>>
        %dma_start3A_61 = arith.constant 0 : i32
        %dma_start3A_62 = arith.constant 0 : i32
        %dma_start3A_63 = tpu.memref_slice %arg11[%dma_start3A_61, %dma_start3A_62] : memref<10112x64xf32, #tpu.memory_space<vmem_shared>> -> memref<10112x64xf32, #tpu.memory_space<vmem_shared>>
        tpu.enqueue_indirect_dma source(%arg10 : memref<128x64xf32, #tpu.memory_space<vmem>>) target(%dma_start3A_63 : memref<10112x64xf32, #tpu.memory_space<vmem_shared>>) offsets(%dma_start3A_60 : memref<128xi32, #tpu.memory_space<vmem>>) semaphore(%run_scoped3A : memref<!tpu.dma_semaphore, #tpu.memory_space<semaphore_mem>>) {add = true}
        %dma_wait3A_64 = arith.constant 0 : i32
        %dma_wait3A_65 = tpu.memref_slice %arg8[%add3A_24, %dma_wait3A_64] : memref<158x128xi32, #tpu.memory_space<vmem>> -> memref<1x128xi32, #tpu.memory_space<vmem>>
        %dma_wait3A_66 = tpu.memref_squeeze %dma_wait3A_65 : memref<1x128xi32, #tpu.memory_space<vmem>> -> memref<128xi32, #tpu.memory_space<vmem>>
        %dma_wait3A_67 = arith.constant 0 : i32
        %dma_wait3A_68 = arith.constant 0 : i32
        %dma_wait3A_69 = tpu.memref_slice %arg11[%dma_wait3A_67, %dma_wait3A_68] : memref<10112x64xf32, #tpu.memory_space<vmem_shared>> -> memref<10112x64xf32, #tpu.memory_space<vmem_shared>>
        tpu.wait_indirect_dma semaphore(%run_scoped3A : memref<!tpu.dma_semaphore, #tpu.memory_space<semaphore_mem>>) src(%arg10 : memref<128x64xf32, #tpu.memory_space<vmem>>) dst(%dma_wait3A_69 : memref<10112x64xf32, #tpu.memory_space<vmem_shared>>)
        tpu.yield
      }) : () -> ()
    }
    %scan3A_15 = arith.constant 79 : i32
    %barrier3A_16 = arith.constant 0 : index
    tpu.barrier barrier_id(%barrier3A_16)
    %mul3A_17 = arith.constant 632 : i32
    %mul3A_18 = arith.muli %arg1, %mul3A_17 : i32
    %mul3A_19 = arith.constant 632 : i32
    %mul3A_20 = arith.muli %arg1, %mul3A_19 : i32
    "tpu.region"() ({
      %run_scoped3A = tpu.sem_alloc : memref<!tpu.dma_semaphore, #tpu.memory_space<semaphore_mem>>
      %dma_start3A_21 = arith.constant 0 : i32
      %dma_start3A_22 = arith.constant 0 : i32
      %dma_start3A_23 = tpu.memref_slice %arg6[%arg0, %dma_start3A_21, %dma_start3A_22] : memref<2x10112x64xf32, #tpu.memory_space<hbm>> -> memref<1x10112x64xf32, #tpu.memory_space<hbm>>
      %dma_start3A_24 = tpu.memref_squeeze %dma_start3A_23 : memref<1x10112x64xf32, #tpu.memory_space<hbm>> -> memref<10112x64xf32, #tpu.memory_space<hbm>>
      %dma_start3A_25 = arith.constant 0 : i32
      %dma_start3A_26 = tpu.memref_slice %dma_start3A_24[%mul3A_20, %dma_start3A_25] : memref<10112x64xf32, #tpu.memory_space<hbm>> -> memref<632x64xf32, #tpu.memory_space<hbm>>
      %dma_start3A_27 = arith.constant 0 : i32
      %dma_start3A_28 = tpu.memref_slice %arg11[%mul3A_18, %dma_start3A_27] : memref<10112x64xf32, #tpu.memory_space<vmem_shared>> -> memref<632x64xf32, #tpu.memory_space<vmem_shared>>
      tpu.enqueue_dma source(%dma_start3A_28 : memref<632x64xf32, #tpu.memory_space<vmem_shared>>) target(%dma_start3A_26 : memref<632x64xf32, #tpu.memory_space<hbm>>) target_semaphore(%run_scoped3A : memref<!tpu.dma_semaphore, #tpu.memory_space<semaphore_mem>>)
      %dma_wait3A = arith.constant 0 : i32
      %dma_wait3A_29 = arith.constant 0 : i32
      %dma_wait3A_30 = tpu.memref_slice %arg6[%arg0, %dma_wait3A, %dma_wait3A_29] : memref<2x10112x64xf32, #tpu.memory_space<hbm>> -> memref<1x10112x64xf32, #tpu.memory_space<hbm>>
      %dma_wait3A_31 = tpu.memref_squeeze %dma_wait3A_30 : memref<1x10112x64xf32, #tpu.memory_space<hbm>> -> memref<10112x64xf32, #tpu.memory_space<hbm>>
      %dma_wait3A_32 = arith.constant 0 : i32
      %dma_wait3A_33 = tpu.memref_slice %dma_wait3A_31[%mul3A_20, %dma_wait3A_32] : memref<10112x64xf32, #tpu.memory_space<hbm>> -> memref<632x64xf32, #tpu.memory_space<hbm>>
      %dma_wait3A_34 = arith.constant 0 : i32
      %dma_wait3A_35 = tpu.memref_slice %arg11[%mul3A_18, %dma_wait3A_34] : memref<10112x64xf32, #tpu.memory_space<vmem_shared>> -> memref<632x64xf32, #tpu.memory_space<vmem_shared>>
      tpu.wait_dma2 semaphore(%run_scoped3A : memref<!tpu.dma_semaphore, #tpu.memory_space<semaphore_mem>>) src(%dma_wait3A_35 : memref<632x64xf32, #tpu.memory_space<vmem_shared>>) dst(%dma_wait3A_33 : memref<632x64xf32, #tpu.memory_space<hbm>>)
      tpu.yield
    }) : () -> ()
    return
  }
}

#map = affine_map<(d0, d1) -> (0, 0, 0)>
#map1 = affine_map<(d0, d1) -> (0, 0)>
module attributes {stable_mosaic.version = 14 : i64} {
  func.func @k(%arg0: i32, %arg1: i32, %arg2: memref<2x10000x64xf32, #tpu.memory_space<hbm>>, %arg3: memref<16x158x128xi32, #tpu.memory_space<hbm>>, %arg4: memref<16x158x128xi32, #tpu.memory_space<hbm>>, %arg5: memref<632x64xf32, #tpu.memory_space<hbm>>, %arg6: memref<2x10112x64xf32, #tpu.memory_space<hbm>>, %arg7: memref<158x128xi32, #tpu.memory_space<vmem>>, %arg8: memref<158x128xi32, #tpu.memory_space<vmem>>, %arg9: memref<128x64xf32, #tpu.memory_space<vmem>>, %arg10: memref<128x64xf32, #tpu.memory_space<vmem>>, %arg11: memref<10112x64xf32, #tpu.memory_space<vmem_shared>>, %arg12: memref<!tpu.dma_semaphore, #tpu.memory_space<semaphore_mem>>, %arg13: memref<!tpu.dma_semaphore, #tpu.memory_space<semaphore_mem>>) attributes {dimension_semantics = [#tpu.dimension_semantics<core_parallel>, #tpu.dimension_semantics<subcore_parallel>], iteration_bounds = array<i64: 2, 16>, scalar_prefetch = 0 : i64, scratch_operands = 7 : i64, tpu.core_type = #tpu.core_type<sc_vector_subcore>, window_params = [{transform_indices = #map}, {transform_indices = #map}, {transform_indices = #map}, {transform_indices = #map1}, {transform_indices = #map}]} {
    %mul3A = arith.constant 632 : i32
    %mul3A_0 = arith.muli %arg1, %mul3A : i32
    "tpu.region"() ({
      %run_scoped3A = tpu.sem_alloc : memref<!tpu.dma_semaphore, #tpu.memory_space<semaphore_mem>>
      %dma_start3A_21 = arith.constant 0 : i32
      %dma_start3A_22 = tpu.memref_slice %arg11[%mul3A_0, %dma_start3A_21] : memref<10112x64xf32, #tpu.memory_space<vmem_shared>> -> memref<632x64xf32, #tpu.memory_space<vmem_shared>>
      tpu.enqueue_dma source(%arg5 : memref<632x64xf32, #tpu.memory_space<hbm>>) target(%dma_start3A_22 : memref<632x64xf32, #tpu.memory_space<vmem_shared>>) target_semaphore(%run_scoped3A : memref<!tpu.dma_semaphore, #tpu.memory_space<semaphore_mem>>)
      %dma_wait3A = arith.constant 0 : i32
      %dma_wait3A_23 = tpu.memref_slice %arg11[%mul3A_0, %dma_wait3A] : memref<10112x64xf32, #tpu.memory_space<vmem_shared>> -> memref<632x64xf32, #tpu.memory_space<vmem_shared>>
      tpu.wait_dma2 semaphore(%run_scoped3A : memref<!tpu.dma_semaphore, #tpu.memory_space<semaphore_mem>>) src(%arg5 : memref<632x64xf32, #tpu.memory_space<hbm>>) dst(%dma_wait3A_23 : memref<632x64xf32, #tpu.memory_space<vmem_shared>>)
      tpu.yield
    }) : () -> ()
    "tpu.region"() ({
      %run_scoped3A = tpu.sem_alloc : memref<!tpu.dma_semaphore, #tpu.memory_space<semaphore_mem>>
      %dma_start3A_21 = arith.constant 0 : i32
      %dma_start3A_22 = arith.constant 0 : i32
      %dma_start3A_23 = tpu.memref_slice %arg3[%arg1, %dma_start3A_21, %dma_start3A_22] : memref<16x158x128xi32, #tpu.memory_space<hbm>> -> memref<1x158x128xi32, #tpu.memory_space<hbm>>
      %dma_start3A_24 = tpu.memref_squeeze %dma_start3A_23 : memref<1x158x128xi32, #tpu.memory_space<hbm>> -> memref<158x128xi32, #tpu.memory_space<hbm>>
      %dma_start3A_25 = arith.constant 0 : i32
      %dma_start3A_26 = arith.constant 0 : i32
      %dma_start3A_27 = tpu.memref_slice %arg3[%arg1, %dma_start3A_25, %dma_start3A_26] : memref<16x158x128xi32, #tpu.memory_space<hbm>> -> memref<1x158x128xi32, #tpu.memory_space<hbm>>
      %dma_start3A_28 = tpu.memref_squeeze %dma_start3A_27 : memref<1x158x128xi32, #tpu.memory_space<hbm>> -> memref<158x128xi32, #tpu.memory_space<hbm>>
      tpu.enqueue_dma source(%dma_start3A_28 : memref<158x128xi32, #tpu.memory_space<hbm>>) target(%arg7 : memref<158x128xi32, #tpu.memory_space<vmem>>) target_semaphore(%run_scoped3A : memref<!tpu.dma_semaphore, #tpu.memory_space<semaphore_mem>>)
      %dma_wait3A = arith.constant 0 : i32
      %dma_wait3A_29 = arith.constant 0 : i32
      %dma_wait3A_30 = tpu.memref_slice %arg3[%arg1, %dma_wait3A, %dma_wait3A_29] : memref<16x158x128xi32, #tpu.memory_space<hbm>> -> memref<1x158x128xi32, #tpu.memory_space<hbm>>
      %dma_wait3A_31 = tpu.memref_squeeze %dma_wait3A_30 : memref<1x158x128xi32, #tpu.memory_space<hbm>> -> memref<158x128xi32, #tpu.memory_space<hbm>>
      %dma_wait3A_32 = arith.constant 0 : i32
      %dma_wait3A_33 = arith.constant 0 : i32
      %dma_wait3A_34 = tpu.memref_slice %arg3[%arg1, %dma_wait3A_32, %dma_wait3A_33] : memref<16x158x128xi32, #tpu.memory_space<hbm>> -> memref<1x158x128xi32, #tpu.memory_space<hbm>>
      %dma_wait3A_35 = tpu.memref_squeeze %dma_wait3A_34 : memref<1x158x128xi32, #tpu.memory_space<hbm>> -> memref<158x128xi32, #tpu.memory_space<hbm>>
      tpu.wait_dma2 semaphore(%run_scoped3A : memref<!tpu.dma_semaphore, #tpu.memory_space<semaphore_mem>>) src(%dma_wait3A_35 : memref<158x128xi32, #tpu.memory_space<hbm>>) dst(%arg7 : memref<158x128xi32, #tpu.memory_space<vmem>>)
      tpu.yield
    }) : () -> ()
    "tpu.region"() ({
      %run_scoped3A = tpu.sem_alloc : memref<!tpu.dma_semaphore, #tpu.memory_space<semaphore_mem>>
      %dma_start3A_21 = arith.constant 0 : i32
      %dma_start3A_22 = arith.constant 0 : i32
      %dma_start3A_23 = tpu.memref_slice %arg4[%arg1, %dma_start3A_21, %dma_start3A_22] : memref<16x158x128xi32, #tpu.memory_space<hbm>> -> memref<1x158x128xi32, #tpu.memory_space<hbm>>
      %dma_start3A_24 = tpu.memref_squeeze %dma_start3A_23 : memref<1x158x128xi32, #tpu.memory_space<hbm>> -> memref<158x128xi32, #tpu.memory_space<hbm>>
      %dma_start3A_25 = arith.constant 0 : i32
      %dma_start3A_26 = arith.constant 0 : i32
      %dma_start3A_27 = tpu.memref_slice %arg4[%arg1, %dma_start3A_25, %dma_start3A_26] : memref<16x158x128xi32, #tpu.memory_space<hbm>> -> memref<1x158x128xi32, #tpu.memory_space<hbm>>
      %dma_start3A_28 = tpu.memref_squeeze %dma_start3A_27 : memref<1x158x128xi32, #tpu.memory_space<hbm>> -> memref<158x128xi32, #tpu.memory_space<hbm>>
      tpu.enqueue_dma source(%dma_start3A_28 : memref<158x128xi32, #tpu.memory_space<hbm>>) target(%arg8 : memref<158x128xi32, #tpu.memory_space<vmem>>) target_semaphore(%run_scoped3A : memref<!tpu.dma_semaphore, #tpu.memory_space<semaphore_mem>>)
      %dma_wait3A = arith.constant 0 : i32
      %dma_wait3A_29 = arith.constant 0 : i32
      %dma_wait3A_30 = tpu.memref_slice %arg4[%arg1, %dma_wait3A, %dma_wait3A_29] : memref<16x158x128xi32, #tpu.memory_space<hbm>> -> memref<1x158x128xi32, #tpu.memory_space<hbm>>
      %dma_wait3A_31 = tpu.memref_squeeze %dma_wait3A_30 : memref<1x158x128xi32, #tpu.memory_space<hbm>> -> memref<158x128xi32, #tpu.memory_space<hbm>>
      %dma_wait3A_32 = arith.constant 0 : i32
      %dma_wait3A_33 = arith.constant 0 : i32
      %dma_wait3A_34 = tpu.memref_slice %arg4[%arg1, %dma_wait3A_32, %dma_wait3A_33] : memref<16x158x128xi32, #tpu.memory_space<hbm>> -> memref<1x158x128xi32, #tpu.memory_space<hbm>>
      %dma_wait3A_35 = tpu.memref_squeeze %dma_wait3A_34 : memref<1x158x128xi32, #tpu.memory_space<hbm>> -> memref<158x128xi32, #tpu.memory_space<hbm>>
      tpu.wait_dma2 semaphore(%run_scoped3A : memref<!tpu.dma_semaphore, #tpu.memory_space<semaphore_mem>>) src(%dma_wait3A_35 : memref<158x128xi32, #tpu.memory_space<hbm>>) dst(%arg8 : memref<158x128xi32, #tpu.memory_space<vmem>>)
      tpu.yield
    }) : () -> ()
    %barrier3A = arith.constant 0 : index
    tpu.barrier barrier_id(%barrier3A)
    %dma_start3A = arith.constant 0 : i32
    %dma_start3A_1 = arith.constant 0 : i32
    %dma_start3A_2 = tpu.memref_slice %arg7[%dma_start3A, %dma_start3A_1] : memref<158x128xi32, #tpu.memory_space<vmem>> -> memref<1x128xi32, #tpu.memory_space<vmem>>
    %dma_start3A_3 = tpu.memref_squeeze %dma_start3A_2 : memref<1x128xi32, #tpu.memory_space<vmem>> -> memref<128xi32, #tpu.memory_space<vmem>>
    %dma_start3A_4 = arith.constant 0 : i32
    %dma_start3A_5 = arith.constant 0 : i32
    %dma_start3A_6 = tpu.memref_slice %arg2[%arg0, %dma_start3A_4, %dma_start3A_5] : memref<2x10000x64xf32, #tpu.memory_space<hbm>> -> memref<1x10000x64xf32, #tpu.memory_space<hbm>>
    %dma_start3A_7 = tpu.memref_squeeze %dma_start3A_6 : memref<1x10000x64xf32, #tpu.memory_space<hbm>> -> memref<10000x64xf32, #tpu.memory_space<hbm>>
    %dma_start3A_8 = arith.constant 0 : i32
    %dma_start3A_9 = arith.constant 0 : i32
    %dma_start3A_10 = tpu.memref_slice %dma_start3A_7[%dma_start3A_8, %dma_start3A_9] : memref<10000x64xf32, #tpu.memory_space<hbm>> -> memref<10000x64xf32, #tpu.memory_space<hbm>>
    tpu.enqueue_indirect_dma source(%dma_start3A_10 : memref<10000x64xf32, #tpu.memory_space<hbm>>) target(%arg9 : memref<128x64xf32, #tpu.memory_space<vmem>>) offsets(%dma_start3A_3 : memref<128xi32, #tpu.memory_space<vmem>>) semaphore(%arg12 : memref<!tpu.dma_semaphore, #tpu.memory_space<semaphore_mem>>)
    %scan3A = arith.constant 0 : i32
    %scan3A_11 = arith.constant 0 : i32
    %scan3A_12 = arith.constant 79 : i32
    %scan3A_13 = arith.addi %scan3A_11, %scan3A_12 : i32
    %scan3A_14 = arith.constant 1 : i32
    scf.for %scan3A_21 = %scan3A_11 to %scan3A_13 step %scan3A_14  : i32 {
      %mul3A_22 = arith.constant 2 : i32
      %mul3A_23 = arith.muli %mul3A_22, %scan3A_21 : i32
      %add3A = arith.constant 1 : i32
      %add3A_24 = arith.addi %mul3A_23, %add3A : i32
      %dma_start3A_25 = arith.constant 0 : i32
      %dma_start3A_26 = tpu.memref_slice %arg7[%add3A_24, %dma_start3A_25] : memref<158x128xi32, #tpu.memory_space<vmem>> -> memref<1x128xi32, #tpu.memory_space<vmem>>
      %dma_start3A_27 = tpu.memref_squeeze %dma_start3A_26 : memref<1x128xi32, #tpu.memory_space<vmem>> -> memref<128xi32, #tpu.memory_space<vmem>>
      %dma_start3A_28 = arith.constant 0 : i32
      %dma_start3A_29 = arith.constant 0 : i32
      %dma_start3A_30 = tpu.memref_slice %arg2[%arg0, %dma_start3A_28, %dma_start3A_29] : memref<2x10000x64xf32, #tpu.memory_space<hbm>> -> memref<1x10000x64xf32, #tpu.memory_space<hbm>>
      %dma_start3A_31 = tpu.memref_squeeze %dma_start3A_30 : memref<1x10000x64xf32, #tpu.memory_space<hbm>> -> memref<10000x64xf32, #tpu.memory_space<hbm>>
      %dma_start3A_32 = arith.constant 0 : i32
      %dma_start3A_33 = arith.constant 0 : i32
      %dma_start3A_34 = tpu.memref_slice %dma_start3A_31[%dma_start3A_32, %dma_start3A_33] : memref<10000x64xf32, #tpu.memory_space<hbm>> -> memref<10000x64xf32, #tpu.memory_space<hbm>>
      tpu.enqueue_indirect_dma source(%dma_start3A_34 : memref<10000x64xf32, #tpu.memory_space<hbm>>) target(%arg10 : memref<128x64xf32, #tpu.memory_space<vmem>>) offsets(%dma_start3A_27 : memref<128xi32, #tpu.memory_space<vmem>>) semaphore(%arg13 : memref<!tpu.dma_semaphore, #tpu.memory_space<semaphore_mem>>)
      %dma_wait3A = arith.constant 0 : i32
      %dma_wait3A_35 = tpu.memref_slice %arg7[%mul3A_23, %dma_wait3A] : memref<158x128xi32, #tpu.memory_space<vmem>> -> memref<1x128xi32, #tpu.memory_space<vmem>>
      %dma_wait3A_36 = tpu.memref_squeeze %dma_wait3A_35 : memref<1x128xi32, #tpu.memory_space<vmem>> -> memref<128xi32, #tpu.memory_space<vmem>>
      %dma_wait3A_37 = arith.constant 0 : i32
      %dma_wait3A_38 = arith.constant 0 : i32
      %dma_wait3A_39 = tpu.memref_slice %arg2[%arg0, %dma_wait3A_37, %dma_wait3A_38] : memref<2x10000x64xf32, #tpu.memory_space<hbm>> -> memref<1x10000x64xf32, #tpu.memory_space<hbm>>
      %dma_wait3A_40 = tpu.memref_squeeze %dma_wait3A_39 : memref<1x10000x64xf32, #tpu.memory_space<hbm>> -> memref<10000x64xf32, #tpu.memory_space<hbm>>
      %dma_wait3A_41 = arith.constant 0 : i32
      %dma_wait3A_42 = arith.constant 0 : i32
      %dma_wait3A_43 = tpu.memref_slice %dma_wait3A_40[%dma_wait3A_41, %dma_wait3A_42] : memref<10000x64xf32, #tpu.memory_space<hbm>> -> memref<10000x64xf32, #tpu.memory_space<hbm>>
      tpu.wait_indirect_dma semaphore(%arg12 : memref<!tpu.dma_semaphore, #tpu.memory_space<semaphore_mem>>) src(%dma_wait3A_43 : memref<10000x64xf32, #tpu.memory_space<hbm>>) dst(%arg9 : memref<128x64xf32, #tpu.memory_space<vmem>>)
      "tpu.region"() ({
        %run_scoped3A = tpu.sem_alloc : memref<!tpu.dma_semaphore, #tpu.memory_space<semaphore_mem>>
        %dma_start3A_58 = arith.constant 0 : i32
        %dma_start3A_59 = tpu.memref_slice %arg8[%mul3A_23, %dma_start3A_58] : memref<158x128xi32, #tpu.memory_space<vmem>> -> memref<1x128xi32, #tpu.memory_space<vmem>>
        %dma_start3A_60 = tpu.memref_squeeze %dma_start3A_59 : memref<1x128xi32, #tpu.memory_space<vmem>> -> memref<128xi32, #tpu.memory_space<vmem>>
        %dma_start3A_61 = arith.constant 0 : i32
        %dma_start3A_62 = arith.constant 0 : i32
        %dma_start3A_63 = tpu.memref_slice %arg11[%dma_start3A_61, %dma_start3A_62] : memref<10112x64xf32, #tpu.memory_space<vmem_shared>> -> memref<10112x64xf32, #tpu.memory_space<vmem_shared>>
        tpu.enqueue_indirect_dma source(%arg9 : memref<128x64xf32, #tpu.memory_space<vmem>>) target(%dma_start3A_63 : memref<10112x64xf32, #tpu.memory_space<vmem_shared>>) offsets(%dma_start3A_60 : memref<128xi32, #tpu.memory_space<vmem>>) semaphore(%run_scoped3A : memref<!tpu.dma_semaphore, #tpu.memory_space<semaphore_mem>>) {add = true}
        %dma_wait3A_64 = arith.constant 0 : i32
        %dma_wait3A_65 = tpu.memref_slice %arg8[%mul3A_23, %dma_wait3A_64] : memref<158x128xi32, #tpu.memory_space<vmem>> -> memref<1x128xi32, #tpu.memory_space<vmem>>
        %dma_wait3A_66 = tpu.memref_squeeze %dma_wait3A_65 : memref<1x128xi32, #tpu.memory_space<vmem>> -> memref<128xi32, #tpu.memory_space<vmem>>
        %dma_wait3A_67 = arith.constant 0 : i32
        %dma_wait3A_68 = arith.constant 0 : i32
        %dma_wait3A_69 = tpu.memref_slice %arg11[%dma_wait3A_67, %dma_wait3A_68] : memref<10112x64xf32, #tpu.memory_space<vmem_shared>> -> memref<10112x64xf32, #tpu.memory_space<vmem_shared>>
        tpu.wait_indirect_dma semaphore(%run_scoped3A : memref<!tpu.dma_semaphore, #tpu.memory_space<semaphore_mem>>) src(%arg9 : memref<128x64xf32, #tpu.memory_space<vmem>>) dst(%dma_wait3A_69 : memref<10112x64xf32, #tpu.memory_space<vmem_shared>>)
        tpu.yield
      }) : () -> ()
      %add3A_44 = arith.constant 2 : i32
      %add3A_45 = arith.addi %mul3A_23, %add3A_44 : i32
      %lt3A = arith.constant 158 : i32
      %lt3A_46 = arith.cmpi slt, %add3A_45, %lt3A : i32
      %convert_element_type3A = arith.extui %lt3A_46 : i1 to i32
      %cond3A = arith.constant 0 : i32
      %cond3A_47 = arith.cmpi ne, %convert_element_type3A, %cond3A : i32
      scf.if %cond3A_47 {
        %add3A_58 = arith.constant 2 : i32
        %add3A_59 = arith.addi %mul3A_23, %add3A_58 : i32
        %dma_start3A_60 = arith.constant 0 : i32
        %dma_start3A_61 = tpu.memref_slice %arg7[%add3A_59, %dma_start3A_60] : memref<158x128xi32, #tpu.memory_space<vmem>> -> memref<1x128xi32, #tpu.memory_space<vmem>>
        %dma_start3A_62 = tpu.memref_squeeze %dma_start3A_61 : memref<1x128xi32, #tpu.memory_space<vmem>> -> memref<128xi32, #tpu.memory_space<vmem>>
        %dma_start3A_63 = arith.constant 0 : i32
        %dma_start3A_64 = arith.constant 0 : i32
        %dma_start3A_65 = tpu.memref_slice %arg2[%arg0, %dma_start3A_63, %dma_start3A_64] : memref<2x10000x64xf32, #tpu.memory_space<hbm>> -> memref<1x10000x64xf32, #tpu.memory_space<hbm>>
        %dma_start3A_66 = tpu.memref_squeeze %dma_start3A_65 : memref<1x10000x64xf32, #tpu.memory_space<hbm>> -> memref<10000x64xf32, #tpu.memory_space<hbm>>
        %dma_start3A_67 = arith.constant 0 : i32
        %dma_start3A_68 = arith.constant 0 : i32
        %dma_start3A_69 = tpu.memref_slice %dma_start3A_66[%dma_start3A_67, %dma_start3A_68] : memref<10000x64xf32, #tpu.memory_space<hbm>> -> memref<10000x64xf32, #tpu.memory_space<hbm>>
        tpu.enqueue_indirect_dma source(%dma_start3A_69 : memref<10000x64xf32, #tpu.memory_space<hbm>>) target(%arg9 : memref<128x64xf32, #tpu.memory_space<vmem>>) offsets(%dma_start3A_62 : memref<128xi32, #tpu.memory_space<vmem>>) semaphore(%arg12 : memref<!tpu.dma_semaphore, #tpu.memory_space<semaphore_mem>>)
      } else {
      }
      %dma_wait3A_48 = arith.constant 0 : i32
      %dma_wait3A_49 = tpu.memref_slice %arg7[%add3A_24, %dma_wait3A_48] : memref<158x128xi32, #tpu.memory_space<vmem>> -> memref<1x128xi32, #tpu.memory_space<vmem>>
      %dma_wait3A_50 = tpu.memref_squeeze %dma_wait3A_49 : memref<1x128xi32, #tpu.memory_space<vmem>> -> memref<128xi32, #tpu.memory_space<vmem>>
      %dma_wait3A_51 = arith.constant 0 : i32
      %dma_wait3A_52 = arith.constant 0 : i32
      %dma_wait3A_53 = tpu.memref_slice %arg2[%arg0, %dma_wait3A_51, %dma_wait3A_52] : memref<2x10000x64xf32, #tpu.memory_space<hbm>> -> memref<1x10000x64xf32, #tpu.memory_space<hbm>>
      %dma_wait3A_54 = tpu.memref_squeeze %dma_wait3A_53 : memref<1x10000x64xf32, #tpu.memory_space<hbm>> -> memref<10000x64xf32, #tpu.memory_space<hbm>>
      %dma_wait3A_55 = arith.constant 0 : i32
      %dma_wait3A_56 = arith.constant 0 : i32
      %dma_wait3A_57 = tpu.memref_slice %dma_wait3A_54[%dma_wait3A_55, %dma_wait3A_56] : memref<10000x64xf32, #tpu.memory_space<hbm>> -> memref<10000x64xf32, #tpu.memory_space<hbm>>
      tpu.wait_indirect_dma semaphore(%arg13 : memref<!tpu.dma_semaphore, #tpu.memory_space<semaphore_mem>>) src(%dma_wait3A_57 : memref<10000x64xf32, #tpu.memory_space<hbm>>) dst(%arg10 : memref<128x64xf32, #tpu.memory_space<vmem>>)
      "tpu.region"() ({
        %run_scoped3A = tpu.sem_alloc : memref<!tpu.dma_semaphore, #tpu.memory_space<semaphore_mem>>
        %dma_start3A_58 = arith.constant 0 : i32
        %dma_start3A_59 = tpu.memref_slice %arg8[%add3A_24, %dma_start3A_58] : memref<158x128xi32, #tpu.memory_space<vmem>> -> memref<1x128xi32, #tpu.memory_space<vmem>>
        %dma_start3A_60 = tpu.memref_squeeze %dma_start3A_59 : memref<1x128xi32, #tpu.memory_space<vmem>> -> memref<128xi32, #tpu.memory_space<vmem>>
        %dma_start3A_61 = arith.constant 0 : i32
        %dma_start3A_62 = arith.constant 0 : i32
        %dma_start3A_63 = tpu.memref_slice %arg11[%dma_start3A_61, %dma_start3A_62] : memref<10112x64xf32, #tpu.memory_space<vmem_shared>> -> memref<10112x64xf32, #tpu.memory_space<vmem_shared>>
        tpu.enqueue_indirect_dma source(%arg10 : memref<128x64xf32, #tpu.memory_space<vmem>>) target(%dma_start3A_63 : memref<10112x64xf32, #tpu.memory_space<vmem_shared>>) offsets(%dma_start3A_60 : memref<128xi32, #tpu.memory_space<vmem>>) semaphore(%run_scoped3A : memref<!tpu.dma_semaphore, #tpu.memory_space<semaphore_mem>>) {add = true}
        %dma_wait3A_64 = arith.constant 0 : i32
        %dma_wait3A_65 = tpu.memref_slice %arg8[%add3A_24, %dma_wait3A_64] : memref<158x128xi32, #tpu.memory_space<vmem>> -> memref<1x128xi32, #tpu.memory_space<vmem>>
        %dma_wait3A_66 = tpu.memref_squeeze %dma_wait3A_65 : memref<1x128xi32, #tpu.memory_space<vmem>> -> memref<128xi32, #tpu.memory_space<vmem>>
        %dma_wait3A_67 = arith.constant 0 : i32
        %dma_wait3A_68 = arith.constant 0 : i32
        %dma_wait3A_69 = tpu.memref_slice %arg11[%dma_wait3A_67, %dma_wait3A_68] : memref<10112x64xf32, #tpu.memory_space<vmem_shared>> -> memref<10112x64xf32, #tpu.memory_space<vmem_shared>>
        tpu.wait_indirect_dma semaphore(%run_scoped3A : memref<!tpu.dma_semaphore, #tpu.memory_space<semaphore_mem>>) src(%arg10 : memref<128x64xf32, #tpu.memory_space<vmem>>) dst(%dma_wait3A_69 : memref<10112x64xf32, #tpu.memory_space<vmem_shared>>)
        tpu.yield
      }) : () -> ()
    }
    %scan3A_15 = arith.constant 79 : i32
    %barrier3A_16 = arith.constant 0 : index
    tpu.barrier barrier_id(%barrier3A_16)
    %mul3A_17 = arith.constant 632 : i32
    %mul3A_18 = arith.muli %arg1, %mul3A_17 : i32
    %mul3A_19 = arith.constant 632 : i32
    %mul3A_20 = arith.muli %arg1, %mul3A_19 : i32
    "tpu.region"() ({
      %run_scoped3A = tpu.sem_alloc : memref<!tpu.dma_semaphore, #tpu.memory_space<semaphore_mem>>
      %dma_start3A_21 = arith.constant 0 : i32
      %dma_start3A_22 = arith.constant 0 : i32
      %dma_start3A_23 = tpu.memref_slice %arg6[%arg0, %dma_start3A_21, %dma_start3A_22] : memref<2x10112x64xf32, #tpu.memory_space<hbm>> -> memref<1x10112x64xf32, #tpu.memory_space<hbm>>
      %dma_start3A_24 = tpu.memref_squeeze %dma_start3A_23 : memref<1x10112x64xf32, #tpu.memory_space<hbm>> -> memref<10112x64xf32, #tpu.memory_space<hbm>>
      %dma_start3A_25 = arith.constant 0 : i32
      %dma_start3A_26 = tpu.memref_slice %dma_start3A_24[%mul3A_20, %dma_start3A_25] : memref<10112x64xf32, #tpu.memory_space<hbm>> -> memref<632x64xf32, #tpu.memory_space<hbm>>
      %dma_start3A_27 = arith.constant 0 : i32
      %dma_start3A_28 = tpu.memref_slice %arg11[%mul3A_18, %dma_start3A_27] : memref<10112x64xf32, #tpu.memory_space<vmem_shared>> -> memref<632x64xf32, #tpu.memory_space<vmem_shared>>
      tpu.enqueue_dma source(%dma_start3A_28 : memref<632x64xf32, #tpu.memory_space<vmem_shared>>) target(%dma_start3A_26 : memref<632x64xf32, #tpu.memory_space<hbm>>) target_semaphore(%run_scoped3A : memref<!tpu.dma_semaphore, #tpu.memory_space<semaphore_mem>>)
      %dma_wait3A = arith.constant 0 : i32
      %dma_wait3A_29 = arith.constant 0 : i32
      %dma_wait3A_30 = tpu.memref_slice %arg6[%arg0, %dma_wait3A, %dma_wait3A_29] : memref<2x10112x64xf32, #tpu.memory_space<hbm>> -> memref<1x10112x64xf32, #tpu.memory_space<hbm>>
      %dma_wait3A_31 = tpu.memref_squeeze %dma_wait3A_30 : memref<1x10112x64xf32, #tpu.memory_space<hbm>> -> memref<10112x64xf32, #tpu.memory_space<hbm>>
      %dma_wait3A_32 = arith.constant 0 : i32
      %dma_wait3A_33 = tpu.memref_slice %dma_wait3A_31[%mul3A_20, %dma_wait3A_32] : memref<10112x64xf32, #tpu.memory_space<hbm>> -> memref<632x64xf32, #tpu.memory_space<hbm>>
      %dma_wait3A_34 = arith.constant 0 : i32
      %dma_wait3A_35 = tpu.memref_slice %arg11[%mul3A_18, %dma_wait3A_34] : memref<10112x64xf32, #tpu.memory_space<vmem_shared>> -> memref<632x64xf32, #tpu.memory_space<vmem_shared>>
      tpu.wait_dma2 semaphore(%run_scoped3A : memref<!tpu.dma_semaphore, #tpu.memory_space<semaphore_mem>>) src(%dma_wait3A_35 : memref<632x64xf32, #tpu.memory_space<vmem_shared>>) dst(%dma_wait3A_33 : memref<632x64xf32, #tpu.memory_space<hbm>>)
      tpu.yield
    }) : () -> ()
    return
  }
}

module attributes {stable_mosaic.version = 14 : i64} {
  func.func @body(%arg0: i32, %arg1: memref<1x1x10000xi32, #tpu.memory_space<vmem>>, %arg2: memref<80x128xf32, #tpu.memory_space<vmem>>) attributes {dimension_semantics = [#tpu.dimension_semantics<arbitrary>], iteration_bounds = array<i64: 32>, scalar_prefetch = 0 : i64, scratch_operands = 0 : i64, tpu.core_type = #tpu.core_type<tc>, window_params = [{transform_indices = @transform_0, window_bounds = array<i64: 1, 1, 10000>}, {pipeline_mode = #tpu.pipeline_mode<synchronous>, transform_indices = @transform_1, window_bounds = array<i64: 80, 128>}]} {
    %eq3A = arith.constant 0 : i32
    %eq3A_0 = arith.cmpi eq, %arg0, %eq3A : i32
    %convert_element_type3A = arith.extui %eq3A_0 : i1 to i32
    %cond3A = arith.constant 0 : i32
    %cond3A_1 = arith.cmpi ne, %convert_element_type3A, %cond3A : i32
    scf.if %cond3A_1 {
      %broadcast_in_dim3A = arith.constant 0.000000e+00 : f32
      %broadcast_in_dim3A_64 = vector.broadcast %broadcast_in_dim3A : f32 to vector<80x128xf32>
      %swap3A_65 = arith.constant 0 : index
      %swap3A_66 = arith.constant 0 : index
      %swap3A_67 = vector.load %arg2[%swap3A_65, %swap3A_66] : memref<80x128xf32, #tpu.memory_space<vmem>>, vector<80x128xf32>
      tpu.vector_store %arg2[%swap3A_65, %swap3A_66], %broadcast_in_dim3A_64 {strides = array<i32>} : memref<80x128xf32, #tpu.memory_space<vmem>>, vector<80x128xf32>,
    } else {
    }
    %get3A = arith.constant 0 : index
    %get3A_2 = arith.constant 0 : index
    %get3A_3 = arith.constant 0 : index
    %get3A_4 = vector.load %arg1[%get3A, %get3A_2, %get3A_3] : memref<1x1x10000xi32, #tpu.memory_space<vmem>>, vector<1x1x10000xi32>
    %reshape3A = vector.shape_cast %get3A_4 : vector<1x1x10000xi32> to vector<1x10000xi32>
    %jit3A = arith.constant 128 : i32
    %div3A = vector.broadcast %jit3A : i32 to vector<1x10000xi32>
    %div3A_5 = arith.divsi %reshape3A, %div3A : vector<1x10000xi32>
    %sign3A = arith.constant 0 : i32
    %sign3A_6 = vector.broadcast %sign3A : i32 to vector<1x10000xi32>
    %sign3A_7 = arith.cmpi sgt, %reshape3A, %sign3A_6 : vector<1x10000xi32>
    %sign3A_8 = arith.extui %sign3A_7 : vector<1x10000xi1> to vector<1x10000xi32>
    %sign3A_9 = arith.constant 0 : i32
    %sign3A_10 = vector.broadcast %sign3A_9 : i32 to vector<1x10000xi32>
    %sign3A_11 = arith.cmpi slt, %reshape3A, %sign3A_10 : vector<1x10000xi32>
    %sign3A_12 = arith.extui %sign3A_11 : vector<1x10000xi1> to vector<1x10000xi32>
    %sign3A_13 = arith.subi %sign3A_8, %sign3A_12 : vector<1x10000xi32>
    %sign3A_14 = arith.constant 0 : i32
    %sign3A_15 = arith.cmpi sgt, %jit3A, %sign3A_14 : i32
    %sign3A_16 = arith.extui %sign3A_15 : i1 to i32
    %sign3A_17 = arith.constant 0 : i32
    %sign3A_18 = arith.cmpi slt, %jit3A, %sign3A_17 : i32
    %sign3A_19 = arith.extui %sign3A_18 : i1 to i32
    %sign3A_20 = arith.subi %sign3A_16, %sign3A_19 : i32
    %ne3A = vector.broadcast %sign3A_20 : i32 to vector<1x10000xi32>
    %ne3A_21 = arith.cmpi ne, %sign3A_13, %ne3A : vector<1x10000xi32>
    %rem3A = vector.broadcast %jit3A : i32 to vector<1x10000xi32>
    %rem3A_22 = arith.remsi %reshape3A, %rem3A : vector<1x10000xi32>
    %ne3A_23 = arith.constant 0 : i32
    %ne3A_24 = vector.broadcast %ne3A_23 : i32 to vector<1x10000xi32>
    %ne3A_25 = arith.cmpi ne, %rem3A_22, %ne3A_24 : vector<1x10000xi32>
    %and3A = arith.andi %ne3A_21, %ne3A_25 : vector<1x10000xi1>
    %sub3A = arith.constant 1 : i32
    %sub3A_26 = vector.broadcast %sub3A : i32 to vector<1x10000xi32>
    %sub3A_27 = arith.subi %div3A_5, %sub3A_26 : vector<1x10000xi32>
    %select_n3A = arith.select %and3A, %sub3A_27, %div3A_5 : vector<1x10000xi1>, vector<1x10000xi32>
    %iota3A = tpu.iota {dimensions = array<i32: 0>} : vector<80x10000xi32>
    %eq3A_28 = vector.broadcast %select_n3A : vector<1x10000xi32> to vector<80x10000xi32>
    %eq3A_29 = arith.cmpi eq, %eq3A_28, %iota3A : vector<80x10000xi32>
    %convert_element_type3A_30 = arith.extui %eq3A_29 : vector<80x10000xi1> to vector<80x10000xi32>
    %convert_element_type3A_31 = arith.sitofp %convert_element_type3A_30 : vector<80x10000xi32> to vector<80x10000xf32>
    %jit3A_32 = arith.constant 128 : i32
    %eq3A_33 = arith.constant 0 : i32
    %eq3A_34 = arith.cmpi eq, %jit3A_32, %eq3A_33 : i32
    %jit3A_35 = arith.constant 1 : i32
    %select_n3A_36 = arith.select %eq3A_34, %jit3A_35, %jit3A_32 : i32
    %rem3A_37 = vector.broadcast %select_n3A_36 : i32 to vector<1x10000xi32>
    %rem3A_38 = arith.remsi %reshape3A, %rem3A_37 : vector<1x10000xi32>
    %ne3A_39 = arith.constant 0 : i32
    %ne3A_40 = vector.broadcast %ne3A_39 : i32 to vector<1x10000xi32>
    %ne3A_41 = arith.cmpi ne, %rem3A_38, %ne3A_40 : vector<1x10000xi32>
    %lt3A = arith.constant 0 : i32
    %lt3A_42 = vector.broadcast %lt3A : i32 to vector<1x10000xi32>
    %lt3A_43 = arith.cmpi slt, %rem3A_38, %lt3A_42 : vector<1x10000xi32>
    %lt3A_44 = arith.constant 0 : i32
    %lt3A_45 = arith.cmpi slt, %select_n3A_36, %lt3A_44 : i32
    %ne3A_46 = vector.broadcast %lt3A_45 : i1 to vector<1x10000xi1>
    %ne3A_47 = vector.broadcast %ne3A_46 : vector<1x10000xi1> to vector<1x10000xi1>
    %ne3A_48 = arith.xori %lt3A_43, %ne3A_47 : vector<1x10000xi1>
    %and3A_49 = arith.andi %ne3A_48, %ne3A_41 : vector<1x10000xi1>
    %add3A = vector.broadcast %select_n3A_36 : i32 to vector<1x10000xi32>
    %add3A_50 = arith.addi %rem3A_38, %add3A : vector<1x10000xi32>
    %select_n3A_51 = arith.select %and3A_49, %add3A_50, %rem3A_38 : vector<1x10000xi1>, vector<1x10000xi32>
    %iota3A_52 = tpu.iota {dimensions = array<i32: 0>} : vector<128x10000xi32>
    %eq3A_53 = vector.broadcast %select_n3A_51 : vector<1x10000xi32> to vector<128x10000xi32>
    %eq3A_54 = arith.cmpi eq, %eq3A_53, %iota3A_52 : vector<128x10000xi32>
    %convert_element_type3A_55 = arith.extui %eq3A_54 : vector<128x10000xi1> to vector<128x10000xi32>
    %convert_element_type3A_56 = arith.sitofp %convert_element_type3A_55 : vector<128x10000xi32> to vector<128x10000xf32>
    %get3A_57 = arith.constant 0 : index
    %get3A_58 = arith.constant 0 : index
    %get3A_59 = vector.load %arg2[%get3A_57, %get3A_58] : memref<80x128xf32, #tpu.memory_space<vmem>>, vector<80x128xf32>
    %dot_general3A = arith.constant dense<0.000000e+00> : vector<80x128xf32>
    %dot_general3A_60 = tpu.matmul %convert_element_type3A_31, %convert_element_type3A_56, %dot_general3A {dimension_numbers = #tpu.dot_dimension_numbers<[1], [1], [0], [0], [0, 0, 1, 0], [], []>, transpose_lhs_hint = false} : vector<80x10000xf32>, vector<128x10000xf32>, vector<80x128xf32> -> vector<80x128xf32>
    %add3A_61 = arith.addf %get3A_59, %dot_general3A_60 : vector<80x128xf32>
    %swap3A = arith.constant 0 : index
    %swap3A_62 = arith.constant 0 : index
    %swap3A_63 = vector.load %arg2[%swap3A, %swap3A_62] : memref<80x128xf32, #tpu.memory_space<vmem>>, vector<80x128xf32>
    tpu.vector_store %arg2[%swap3A, %swap3A_62], %add3A_61 {strides = array<i32>} : memref<80x128xf32, #tpu.memory_space<vmem>>, vector<80x128xf32>,
    return
  }
  func.func @transform_0(%arg0: i32) -> (i32, i32, i32) {
    %c0_i32 = arith.constant 0 : i32
    %c0_i32_0 = arith.constant 0 : i32
    %c0_i32_1 = arith.constant 0 : i32
    return %arg0, %c0_i32, %c0_i32_0 : i32, i32, i32
  }
  func.func @transform_1(%arg0: i32) -> (i32, i32) {
    %c0_i32 = arith.constant 0 : i32
    %c0_i32_0 = arith.constant 0 : i32
    %c0_i32_1 = arith.constant 0 : i32
    return %c0_i32, %c0_i32_0 : i32, i32
  }
}

module attributes {stable_mosaic.version = 14 : i64} {
  func.func @body(%arg0: i32, %arg1: memref<5000x1xf32, #tpu.memory_space<vmem>>, %arg2: memref<5000x1xi32, #tpu.memory_space<vmem>>, %arg3: memref<256x128xf32, #tpu.memory_space<vmem>>, %arg4: memref<128x128xf32, #tpu.memory_space<vmem>>, %arg5: memref<5000x1xf32, #tpu.memory_space<vmem>>, %arg6: memref<5000x128xf32, #tpu.memory_space<vmem>>, %arg7: memref<2x5000x64xf32, #tpu.memory_space<vmem>>) attributes {dimension_semantics = [#tpu.dimension_semantics<arbitrary>], iteration_bounds = array<i64: 2>, scalar_prefetch = 0 : i64, scratch_operands = 0 : i64, tpu.core_type = #tpu.core_type<tc>, window_params = [{transform_indices = @transform_0, window_bounds = array<i64: 5000, 1>}, {transform_indices = @transform_1, window_bounds = array<i64: 5000, 1>}, {pipeline_mode = #tpu.pipeline_mode<synchronous>, transform_indices = @transform_2, window_bounds = array<i64: 256, 128>}, {pipeline_mode = #tpu.pipeline_mode<synchronous>, transform_indices = @transform_3, window_bounds = array<i64: 128, 128>}, {transform_indices = @transform_4, window_bounds = array<i64: 5000, 1>}, {transform_indices = @transform_5, window_bounds = array<i64: 5000, 128>}, {transform_indices = @transform_6, window_bounds = array<i64: 2, 5000, 64>}]} {
    %get3A = arith.constant 0 : index
    %get3A_0 = arith.constant 0 : index
    %get3A_1 = vector.load %arg1[%get3A, %get3A_0] : memref<5000x1xf32, #tpu.memory_space<vmem>>, vector<5000x1xf32>
    %gt3A = arith.constant 0.000000e+00 : f32
    %gt3A_2 = vector.broadcast %gt3A : f32 to vector<5000x1xf32>
    %gt3A_3 = arith.cmpf ogt, %get3A_1, %gt3A_2 : vector<5000x1xf32>
    %gt3A_4 = arith.constant 0.000000e+00 : f32
    %gt3A_5 = vector.broadcast %gt3A_4 : f32 to vector<5000x1xf32>
    %gt3A_6 = arith.cmpf ogt, %get3A_1, %gt3A_5 : vector<5000x1xf32>
    %jit3A = arith.constant 1.000000e+00 : f32
    %broadcast_in_dim3A = vector.broadcast %jit3A : f32 to vector<5000x1xf32>
    %select_n3A = arith.select %gt3A_6, %get3A_1, %broadcast_in_dim3A : vector<5000x1xi1>, vector<5000x1xf32>
    %rsqrt3A = math.rsqrt %select_n3A : vector<5000x1xf32>
    %jit3A_7 = arith.constant 0.000000e+00 : f32
    %broadcast_in_dim3A_8 = vector.broadcast %jit3A_7 : f32 to vector<5000x1xf32>
    %select_n3A_9 = arith.select %gt3A_3, %rsqrt3A, %broadcast_in_dim3A_8 : vector<5000x1xi1>, vector<5000x1xf32>
    %swap3A = arith.constant 0 : index
    %swap3A_10 = arith.constant 0 : index
    %swap3A_11 = vector.load %arg5[%swap3A, %swap3A_10] : memref<5000x1xf32, #tpu.memory_space<vmem>>, vector<5000x1xf32>
    tpu.vector_store %arg5[%swap3A, %swap3A_10], %select_n3A_9 {strides = array<i32>} : memref<5000x1xf32, #tpu.memory_space<vmem>>, vector<5000x1xf32>,
    %get3A_12 = arith.constant 0 : index
    %get3A_13 = arith.constant 0 : index
    %get3A_14 = vector.load %arg2[%get3A_12, %get3A_13] : memref<5000x1xi32, #tpu.memory_space<vmem>>, vector<5000x1xi32>
    %iota3A = tpu.iota {dimensions = array<i32: 1>} : vector<1x256xi32>
    %eq3A = vector.broadcast %get3A_14 : vector<5000x1xi32> to vector<5000x256xi32>
    %eq3A_15 = vector.broadcast %iota3A : vector<1x256xi32> to vector<5000x256xi32>
    %eq3A_16 = arith.cmpi eq, %eq3A, %eq3A_15 : vector<5000x256xi32>
    %convert_element_type3A = arith.extui %eq3A_16 : vector<5000x256xi1> to vector<5000x256xi32>
    %convert_element_type3A_17 = arith.sitofp %convert_element_type3A : vector<5000x256xi32> to vector<5000x256xf32>
    %get3A_18 = arith.constant 0 : index
    %get3A_19 = arith.constant 0 : index
    %get3A_20 = vector.load %arg3[%get3A_18, %get3A_19] : memref<256x128xf32, #tpu.memory_space<vmem>>, vector<256x128xf32>
    %dot_general3A = arith.constant dense<0.000000e+00> : vector<5000x128xf32>
    %dot_general3A_21 = tpu.matmul %convert_element_type3A_17, %get3A_20, %dot_general3A {dimension_numbers = #tpu.dot_dimension_numbers<[1], [0], [0], [1], [0, 0, 1, 1], [], []>, transpose_lhs_hint = false} : vector<5000x256xf32>, vector<256x128xf32>, vector<5000x128xf32> -> vector<5000x128xf32>
    %swap3A_22 = arith.constant 0 : index
    %swap3A_23 = arith.constant 0 : index
    %swap3A_24 = vector.load %arg6[%swap3A_22, %swap3A_23] : memref<5000x128xf32, #tpu.memory_space<vmem>>, vector<5000x128xf32>
    tpu.vector_store %arg6[%swap3A_22, %swap3A_23], %dot_general3A_21 {strides = array<i32>} : memref<5000x128xf32, #tpu.memory_space<vmem>>, vector<5000x128xf32>,
    %get3A_25 = arith.constant 0 : index
    %get3A_26 = arith.constant 0 : index
    %get3A_27 = vector.load %arg4[%get3A_25, %get3A_26] : memref<128x128xf32, #tpu.memory_space<vmem>>, vector<128x128xf32>
    %dot_general3A_28 = arith.constant dense<0.000000e+00> : vector<256x128xf32>
    %dot_general3A_29 = tpu.matmul %get3A_20, %get3A_27, %dot_general3A_28 {dimension_numbers = #tpu.dot_dimension_numbers<[1], [0], [0], [1], [0, 0, 1, 1], [], []>, transpose_lhs_hint = false} : vector<256x128xf32>, vector<128x128xf32>, vector<256x128xf32> -> vector<256x128xf32>
    %dot_general3A_30 = arith.constant dense<0.000000e+00> : vector<5000x128xf32>
    %dot_general3A_31 = tpu.matmul %convert_element_type3A_17, %dot_general3A_29, %dot_general3A_30 {dimension_numbers = #tpu.dot_dimension_numbers<[1], [0], [0], [1], [0, 0, 1, 1], [], []>, transpose_lhs_hint = false} : vector<5000x256xf32>, vector<256x128xf32>, vector<5000x128xf32> -> vector<5000x128xf32>
    %mul3A = vector.broadcast %select_n3A_9 : vector<5000x1xf32> to vector<5000x128xf32>
    %mul3A_32 = arith.mulf %mul3A, %dot_general3A_31 : vector<5000x128xf32>
    %slice3A = vector.extract_strided_slice %mul3A_32 {offsets = [0, 0], sizes = [5000, 64], strides = [1, 1]} : vector<5000x128xf32> to vector<5000x64xf32>
    %slice3A_33 = vector.extract_strided_slice %mul3A_32 {offsets = [0, 64], sizes = [5000, 64], strides = [1, 1]} : vector<5000x128xf32> to vector<5000x64xf32>
    %stack3A = vector.shape_cast %slice3A : vector<5000x64xf32> to vector<1x5000x64xf32>
    %stack3A_34 = vector.shape_cast %slice3A_33 : vector<5000x64xf32> to vector<1x5000x64xf32>
    %stack3A_35 = tpu.concatenate %stack3A, %stack3A_34 in 0 : vector<1x5000x64xf32>, vector<1x5000x64xf32> -> vector<2x5000x64xf32>
    %swap3A_36 = arith.constant 0 : index
    %swap3A_37 = arith.constant 0 : index
    %swap3A_38 = arith.constant 0 : index
    %swap3A_39 = vector.load %arg7[%swap3A_36, %swap3A_37, %swap3A_38] : memref<2x5000x64xf32, #tpu.memory_space<vmem>>, vector<2x5000x64xf32>
    tpu.vector_store %arg7[%swap3A_36, %swap3A_37, %swap3A_38], %stack3A_35 {strides = array<i32>} : memref<2x5000x64xf32, #tpu.memory_space<vmem>>, vector<2x5000x64xf32>,
    return
  }
  func.func @transform_0(%arg0: i32) -> (i32, i32) {
    %c0_i32 = arith.constant 0 : i32
    %c0_i32_0 = arith.constant 0 : i32
    return %arg0, %c0_i32 : i32, i32
  }
  func.func @transform_1(%arg0: i32) -> (i32, i32) {
    %c0_i32 = arith.constant 0 : i32
    %c0_i32_0 = arith.constant 0 : i32
    return %arg0, %c0_i32 : i32, i32
  }
  func.func @transform_2(%arg0: i32) -> (i32, i32) {
    %c0_i32 = arith.constant 0 : i32
    %c0_i32_0 = arith.constant 0 : i32
    %c0_i32_1 = arith.constant 0 : i32
    return %c0_i32, %c0_i32_0 : i32, i32
  }
  func.func @transform_3(%arg0: i32) -> (i32, i32) {
    %c0_i32 = arith.constant 0 : i32
    %c0_i32_0 = arith.constant 0 : i32
    %c0_i32_1 = arith.constant 0 : i32
    return %c0_i32, %c0_i32_0 : i32, i32
  }
  func.func @transform_4(%arg0: i32) -> (i32, i32) {
    %c0_i32 = arith.constant 0 : i32
    %c0_i32_0 = arith.constant 0 : i32
    return %arg0, %c0_i32 : i32, i32
  }
  func.func @transform_5(%arg0: i32) -> (i32, i32) {
    %c0_i32 = arith.constant 0 : i32
    %c0_i32_0 = arith.constant 0 : i32
    return %arg0, %c0_i32 : i32, i32
  }
  func.func @transform_6(%arg0: i32) -> (i32, i32, i32) {
    %c0_i32 = arith.constant 0 : i32
    %c0_i32_0 = arith.constant 0 : i32
    %c0_i32_1 = arith.constant 0 : i32
    return %c0_i32, %arg0, %c0_i32_0 : i32, i32, i32
  }
}

module attributes {stable_mosaic.version = 14 : i64} {
  func.func @body(%arg0: i32, %arg1: memref<5000x128xf32, #tpu.memory_space<vmem>>, %arg2: memref<2x5000x64xf32, #tpu.memory_space<vmem>>, %arg3: memref<5000x1xf32, #tpu.memory_space<vmem>>, %arg4: memref<128x128xf32, #tpu.memory_space<vmem>>, %arg5: memref<1x128xf32, #tpu.memory_space<vmem>>, %arg6: memref<5000x128xf32, #tpu.memory_space<vmem>>, %arg7: memref<2x5000x64xf32, #tpu.memory_space<vmem>>) attributes {dimension_semantics = [#tpu.dimension_semantics<arbitrary>], iteration_bounds = array<i64: 2>, scalar_prefetch = 0 : i64, scratch_operands = 0 : i64, tpu.core_type = #tpu.core_type<tc>, window_params = [{transform_indices = @transform_0, window_bounds = array<i64: 5000, 128>}, {transform_indices = @transform_1, window_bounds = array<i64: 2, 5000, 64>}, {transform_indices = @transform_2, window_bounds = array<i64: 5000, 1>}, {pipeline_mode = #tpu.pipeline_mode<synchronous>, transform_indices = @transform_3, window_bounds = array<i64: 128, 128>}, {pipeline_mode = #tpu.pipeline_mode<synchronous>, transform_indices = @transform_4, window_bounds = array<i64: 1, 128>}, {transform_indices = @transform_5, window_bounds = array<i64: 5000, 128>}, {transform_indices = @transform_6, window_bounds = array<i64: 2, 5000, 64>}]} {
    %get3A = arith.constant 0 : index
    %get3A_0 = arith.constant 0 : index
    %get3A_1 = vector.load %arg3[%get3A, %get3A_0] : memref<5000x1xf32, #tpu.memory_space<vmem>>, vector<5000x1xf32>
    %get3A_2 = arith.constant 0 : index
    %get3A_3 = arith.constant 0 : index
    %get3A_4 = arith.constant 0 : index
    %get3A_5 = vector.load %arg2[%get3A_2, %get3A_3, %get3A_4] : memref<2x5000x64xf32, #tpu.memory_space<vmem>>, vector<2x5000x64xf32>
    %slice3A = vector.extract_strided_slice %get3A_5 {offsets = [0, 0, 0], sizes = [1, 5000, 64], strides = [1, 1, 1]} : vector<2x5000x64xf32> to vector<1x5000x64xf32>
    %squeeze3A = vector.shape_cast %slice3A : vector<1x5000x64xf32> to vector<5000x64xf32>
    %slice3A_6 = vector.extract_strided_slice %get3A_5 {offsets = [1, 0, 0], sizes = [1, 5000, 64], strides = [1, 1, 1]} : vector<2x5000x64xf32> to vector<1x5000x64xf32>
    %squeeze3A_7 = vector.shape_cast %slice3A_6 : vector<1x5000x64xf32> to vector<5000x64xf32>
    %concatenate3A = tpu.concatenate %squeeze3A, %squeeze3A_7 in 1 : vector<5000x64xf32>, vector<5000x64xf32> -> vector<5000x128xf32>
    %get3A_8 = arith.constant 0 : index
    %get3A_9 = arith.constant 0 : index
    %get3A_10 = vector.load %arg1[%get3A_8, %get3A_9] : memref<5000x128xf32, #tpu.memory_space<vmem>>, vector<5000x128xf32>
    %mul3A = vector.broadcast %get3A_1 : vector<5000x1xf32> to vector<5000x128xf32>
    %mul3A_11 = arith.mulf %mul3A, %concatenate3A : vector<5000x128xf32>
    %add3A = arith.addf %get3A_10, %mul3A_11 : vector<5000x128xf32>
    %get3A_12 = arith.constant 0 : index
    %get3A_13 = arith.constant 0 : index
    %get3A_14 = vector.load %arg5[%get3A_12, %get3A_13] : memref<1x128xf32, #tpu.memory_space<vmem>>, vector<1x128xf32>
    %add3A_15 = vector.broadcast %get3A_14 : vector<1x128xf32> to vector<5000x128xf32>
    %add3A_16 = arith.addf %add3A, %add3A_15 : vector<5000x128xf32>
    %swap3A = arith.constant 0 : index
    %swap3A_17 = arith.constant 0 : index
    %swap3A_18 = vector.load %arg6[%swap3A, %swap3A_17] : memref<5000x128xf32, #tpu.memory_space<vmem>>, vector<5000x128xf32>
    tpu.vector_store %arg6[%swap3A, %swap3A_17], %add3A_16 {strides = array<i32>} : memref<5000x128xf32, #tpu.memory_space<vmem>>, vector<5000x128xf32>,
    %get3A_19 = arith.constant 0 : index
    %get3A_20 = arith.constant 0 : index
    %get3A_21 = vector.load %arg4[%get3A_19, %get3A_20] : memref<128x128xf32, #tpu.memory_space<vmem>>, vector<128x128xf32>
    %dot_general3A = arith.constant dense<0.000000e+00> : vector<5000x128xf32>
    %dot_general3A_22 = tpu.matmul %add3A_16, %get3A_21, %dot_general3A {dimension_numbers = #tpu.dot_dimension_numbers<[1], [0], [0], [1], [0, 0, 1, 1], [], []>, transpose_lhs_hint = false} : vector<5000x128xf32>, vector<128x128xf32>, vector<5000x128xf32> -> vector<5000x128xf32>
    %mul3A_23 = vector.broadcast %get3A_1 : vector<5000x1xf32> to vector<5000x128xf32>
    %mul3A_24 = arith.mulf %mul3A_23, %dot_general3A_22 : vector<5000x128xf32>
    %slice3A_25 = vector.extract_strided_slice %mul3A_24 {offsets = [0, 0], sizes = [5000, 64], strides = [1, 1]} : vector<5000x128xf32> to vector<5000x64xf32>
    %slice3A_26 = vector.extract_strided_slice %mul3A_24 {offsets = [0, 64], sizes = [5000, 64], strides = [1, 1]} : vector<5000x128xf32> to vector<5000x64xf32>
    %stack3A = vector.shape_cast %slice3A_25 : vector<5000x64xf32> to vector<1x5000x64xf32>
    %stack3A_27 = vector.shape_cast %slice3A_26 : vector<5000x64xf32> to vector<1x5000x64xf32>
    %stack3A_28 = tpu.concatenate %stack3A, %stack3A_27 in 0 : vector<1x5000x64xf32>, vector<1x5000x64xf32> -> vector<2x5000x64xf32>
    %swap3A_29 = arith.constant 0 : index
    %swap3A_30 = arith.constant 0 : index
    %swap3A_31 = arith.constant 0 : index
    %swap3A_32 = vector.load %arg7[%swap3A_29, %swap3A_30, %swap3A_31] : memref<2x5000x64xf32, #tpu.memory_space<vmem>>, vector<2x5000x64xf32>
    tpu.vector_store %arg7[%swap3A_29, %swap3A_30, %swap3A_31], %stack3A_28 {strides = array<i32>} : memref<2x5000x64xf32, #tpu.memory_space<vmem>>, vector<2x5000x64xf32>,
    return
  }
  func.func @transform_0(%arg0: i32) -> (i32, i32) {
    %c0_i32 = arith.constant 0 : i32
    %c0_i32_0 = arith.constant 0 : i32
    return %arg0, %c0_i32 : i32, i32
  }
  func.func @transform_1(%arg0: i32) -> (i32, i32, i32) {
    %c0_i32 = arith.constant 0 : i32
    %c0_i32_0 = arith.constant 0 : i32
    %c0_i32_1 = arith.constant 0 : i32
    return %c0_i32, %arg0, %c0_i32_0 : i32, i32, i32
  }
  func.func @transform_2(%arg0: i32) -> (i32, i32) {
    %c0_i32 = arith.constant 0 : i32
    %c0_i32_0 = arith.constant 0 : i32
    return %arg0, %c0_i32 : i32, i32
  }
  func.func @transform_3(%arg0: i32) -> (i32, i32) {
    %c0_i32 = arith.constant 0 : i32
    %c0_i32_0 = arith.constant 0 : i32
    %c0_i32_1 = arith.constant 0 : i32
    return %c0_i32, %c0_i32_0 : i32, i32
  }
  func.func @transform_4(%arg0: i32) -> (i32, i32) {
    %c0_i32 = arith.constant 0 : i32
    %c0_i32_0 = arith.constant 0 : i32
    %c0_i32_1 = arith.constant 0 : i32
    return %c0_i32, %c0_i32_0 : i32, i32
  }
  func.func @transform_5(%arg0: i32) -> (i32, i32) {
    %c0_i32 = arith.constant 0 : i32
    %c0_i32_0 = arith.constant 0 : i32
    return %arg0, %c0_i32 : i32, i32
  }
  func.func @transform_6(%arg0: i32) -> (i32, i32, i32) {
    %c0_i32 = arith.constant 0 : i32
    %c0_i32_0 = arith.constant 0 : i32
    %c0_i32_1 = arith.constant 0 : i32
    return %c0_i32, %arg0, %c0_i32_0 : i32, i32, i32
  }
}

module attributes {stable_mosaic.version = 14 : i64} {
  func.func @body(%arg0: i32, %arg1: memref<5000x128xf32, #tpu.memory_space<vmem>>, %arg2: memref<2x5000x64xf32, #tpu.memory_space<vmem>>, %arg3: memref<5000x1xf32, #tpu.memory_space<vmem>>, %arg4: memref<1x128xf32, #tpu.memory_space<vmem>>, %arg5: memref<5000x128xf32, #tpu.memory_space<vmem>>) attributes {dimension_semantics = [#tpu.dimension_semantics<arbitrary>], iteration_bounds = array<i64: 2>, scalar_prefetch = 0 : i64, scratch_operands = 0 : i64, tpu.core_type = #tpu.core_type<tc>, window_params = [{transform_indices = @transform_0, window_bounds = array<i64: 5000, 128>}, {transform_indices = @transform_1, window_bounds = array<i64: 2, 5000, 64>}, {transform_indices = @transform_2, window_bounds = array<i64: 5000, 1>}, {pipeline_mode = #tpu.pipeline_mode<synchronous>, transform_indices = @transform_3, window_bounds = array<i64: 1, 128>}, {transform_indices = @transform_4, window_bounds = array<i64: 5000, 128>}]} {
    %get3A = arith.constant 0 : index
    %get3A_0 = arith.constant 0 : index
    %get3A_1 = arith.constant 0 : index
    %get3A_2 = vector.load %arg2[%get3A, %get3A_0, %get3A_1] : memref<2x5000x64xf32, #tpu.memory_space<vmem>>, vector<2x5000x64xf32>
    %slice3A = vector.extract_strided_slice %get3A_2 {offsets = [0, 0, 0], sizes = [1, 5000, 64], strides = [1, 1, 1]} : vector<2x5000x64xf32> to vector<1x5000x64xf32>
    %squeeze3A = vector.shape_cast %slice3A : vector<1x5000x64xf32> to vector<5000x64xf32>
    %slice3A_3 = vector.extract_strided_slice %get3A_2 {offsets = [1, 0, 0], sizes = [1, 5000, 64], strides = [1, 1, 1]} : vector<2x5000x64xf32> to vector<1x5000x64xf32>
    %squeeze3A_4 = vector.shape_cast %slice3A_3 : vector<1x5000x64xf32> to vector<5000x64xf32>
    %concatenate3A = tpu.concatenate %squeeze3A, %squeeze3A_4 in 1 : vector<5000x64xf32>, vector<5000x64xf32> -> vector<5000x128xf32>
    %get3A_5 = arith.constant 0 : index
    %get3A_6 = arith.constant 0 : index
    %get3A_7 = vector.load %arg1[%get3A_5, %get3A_6] : memref<5000x128xf32, #tpu.memory_space<vmem>>, vector<5000x128xf32>
    %get3A_8 = arith.constant 0 : index
    %get3A_9 = arith.constant 0 : index
    %get3A_10 = vector.load %arg3[%get3A_8, %get3A_9] : memref<5000x1xf32, #tpu.memory_space<vmem>>, vector<5000x1xf32>
    %mul3A = vector.broadcast %get3A_10 : vector<5000x1xf32> to vector<5000x128xf32>
    %mul3A_11 = arith.mulf %mul3A, %concatenate3A : vector<5000x128xf32>
    %add3A = arith.addf %get3A_7, %mul3A_11 : vector<5000x128xf32>
    %get3A_12 = arith.constant 0 : index
    %get3A_13 = arith.constant 0 : index
    %get3A_14 = vector.load %arg4[%get3A_12, %get3A_13] : memref<1x128xf32, #tpu.memory_space<vmem>>, vector<1x128xf32>
    %add3A_15 = vector.broadcast %get3A_14 : vector<1x128xf32> to vector<5000x128xf32>
    %add3A_16 = arith.addf %add3A, %add3A_15 : vector<5000x128xf32>
    %swap3A = arith.constant 0 : index
    %swap3A_17 = arith.constant 0 : index
    %swap3A_18 = vector.load %arg5[%swap3A, %swap3A_17] : memref<5000x128xf32, #tpu.memory_space<vmem>>, vector<5000x128xf32>
    tpu.vector_store %arg5[%swap3A, %swap3A_17], %add3A_16 {strides = array<i32>} : memref<5000x128xf32, #tpu.memory_space<vmem>>, vector<5000x128xf32>,
    return
  }
  func.func @transform_0(%arg0: i32) -> (i32, i32) {
    %c0_i32 = arith.constant 0 : i32
    %c0_i32_0 = arith.constant 0 : i32
    return %arg0, %c0_i32 : i32, i32
  }
  func.func @transform_1(%arg0: i32) -> (i32, i32, i32) {
    %c0_i32 = arith.constant 0 : i32
    %c0_i32_0 = arith.constant 0 : i32
    %c0_i32_1 = arith.constant 0 : i32
    return %c0_i32, %arg0, %c0_i32_0 : i32, i32, i32
  }
  func.func @transform_2(%arg0: i32) -> (i32, i32) {
    %c0_i32 = arith.constant 0 : i32
    %c0_i32_0 = arith.constant 0 : i32
    return %arg0, %c0_i32 : i32, i32
  }
  func.func @transform_3(%arg0: i32) -> (i32, i32) {
    %c0_i32 = arith.constant 0 : i32
    %c0_i32_0 = arith.constant 0 : i32
    %c0_i32_1 = arith.constant 0 : i32
    return %c0_i32, %c0_i32_0 : i32, i32
  }
  func.func @transform_4(%arg0: i32) -> (i32, i32) {
    %c0_i32 = arith.constant 0 : i32
    %c0_i32_0 = arith.constant 0 : i32
    return %arg0, %c0_i32 : i32, i32
  }
}

</mosaic_0001>

<sc_bundles>
// kernel: kernel.11.cloned.1.call-start
scs
__scs_entry_jumppad:
0x0: {  	(pc) =	sbr.rel $0x88, $3  }
0x1: {  	(tag) =	ssettag $0x0;
	lr =	simm.s32 $0x1  }
0x2: {  	[smem:$0x3F9A] =	sst lr;
	_ =	strace $0xD0000000  }
0x3: {  	_ = 	snop  }
0x4: {  	_ = 	snop  }
0x5: {  	_ = 	snop  }
0x6: {  	_ = 	snop  }
0x7: {  	_ = 	snop  }
__scs_overlays_trampoline_lowered:
0x8: {  	[smem:$0x3FA9] =	sst s0  }
0x9: {  	[smem:$0x3FAA] =	sst s1  }
0xa: {  	[smem:$0x3FAB] =	sst s2  }
0xb: {  	[smem:$0x3FAC] =	sst s3  }
0xc: {  	[smem:$0x3FAD] =	sst s4  }
0xd: {  	[smem:$0x3FAE] =	sst s5  }
0xe: {  	[smem:$0x3FAF] =	sst s6  }
0xf: {  	[smem:$0x3FB0] =	sst s7  }
0x10: {  	[smem:$0x3FB1] =	sst s8  }
0x11: {  	[smem:$0x3FB2] =	sst s9;
	s0 =	simm.s32 @!p0 $0x0  }
0x12: {  	s1 =	sld [smem:$0x3F98];
	s0 =	simm.s32 @p0 $0x1  }
0x13: {  	[smem:$0x3FB3] =	sst s0;
	s0 =	simm.s32 @!p1 $0x0  }
0x14: {  	s2 =	sld [smem:$0x3F97];
	s0 =	simm.s32 @p1 $0x1  }
0x15: {  	[smem:$0x3FB4] =	sst s0;
	s0 =	simm.s32 @!p2 $0x0  }
0x16: {  	s3 =	sld [smem:$0x3FDB];
	s0 =	simm.s32 @p2 $0x1  }
0x17: {  	s4 =	simm.s32 $0x1BF5;
	[smem:$0x3FB6] =	sst s0  }
0x18: {  	s0 =	sld [smem:$0x3F99];
	_ =	swait.ge [sflag:s4], $0x0  }
0x19: {  	s7 =	sld [smem:$0x3F9A]  }
0x1a: {  	s8 =	sadd.s32 $0xFFFFE003, lr  }
0x1b: {  	s9 =	sadd.s32 $0xFFFFFEF7, lr;
	s5 =	simm.s32 $0xFFFFFFFF;
	p2 =	slt.u32 s8, $0xFFFFF086  }
0x1c: {  	p1 =	slt.u32 s9, $0xF7A;
	s5 =	simm.s32 @!p2 $0x0  }
0x1d: {  	s5 =	simm.s32 @p1 $0x1;
	p0 =	seq.s32 s7, s2  }
0x1e: {  	s7 =	smul.u32 @!p0 $0xF7A, s2;
	p2 =	seq.s32 @!p0 s5, $0x0  }
0x1f: {  	s9 =	smul.u32 $0xF7A, s1;
	s8 =	simm.s32 @!p0 $0x1BF5;
	p2 =	por !p2, p0  }
0x20: {  	[sflag:s8] =	ssyncset.s32 @!p0 $0xFFFFF086;
	s6 =	sadd.s32 @!p0 s3, s7;
	s7 =	simm.s32 @!p0 $0x108  }
0x21: {  	s3 =	sadd.s32 s3, s9;
	s6 =	sadd.s32 @!p0 $0x88, s6;
	s7 =	simm.s32 @p2 $0x1082  }
0x22: {  	[simem:s7], [sflag:s8] =	dma.local @!p0 [hbm:s6], $0xF7A  }
0x23: {  	s9 =	sor.u32 $0xD0000000, s2;
	s6 =	simm.s32 $0x108;
	_ =	swait.ge @!p0 [sflag:s8], $0x0  }
0x24: {  	s3 =	sadd.s32 $0x88, s3;
	s6 =	simm.s32 @!p1 $0x1082;
	[sflag:s4] =	ssyncset.s32 $0xFFFFF086  }
0x25: {  	[simem:s6], [sflag:s4] =	dma.local [hbm:s3], $0xF7A  }
0x26: {  	[smem:$0x3F9A] =	sst s1;
	(tag) =	ssettag s2;
	_ =	strace s9  }
0x27: {  	s1 =	sld [smem:$0x3FAA]  }
0x28: {  	s2 =	sld [smem:$0x3FAB]  }
0x29: {  	s4 =	sld [smem:$0x3FAD]  }
0x2a: {  	p0 =	seq.s32 s5, $0x0;
	s5 =	sld [smem:$0x3FAE]  }
0x2b: {  	s6 =	sld [smem:$0x3FAF]  }
0x2c: {  	s7 =	sld [smem:$0x3FB0]  }
0x2d: {  	s3 =	simm.s32 $0x108;
	s8 =	sld [smem:$0x3FB1]  }
0x2e: {  	s3 =	simm.s32 @!p0 $0x1082;
	s9 =	sld [smem:$0x3FB2]  }
0x2f: {  	lr =	sadd.s32 s0, s3;
	s0 =	sld [smem:$0x3FA9]  }
0x30: {  	s3 =	sld [smem:$0x3FAC]  }
0x31: {  	[smem:$0x3FB5] =	sst s10  }
0x32: {  	s10 =	sld [smem:$0x3FB3];
	_ =	sdelay $0x3  }
0x33: {  	p0 =	seq.s32 s10, $0x1;
	s10 =	sld [smem:$0x3FB5];
	_ =	sdelay $0x3  }
0x34: {  	[smem:$0x3FB5] =	sst s10  }
0x35: {  	s10 =	sld [smem:$0x3FB4];
	_ =	sdelay $0x3  }
0x36: {  	p1 =	seq.s32 s10, $0x1;
	s10 =	sld [smem:$0x3FB5];
	_ =	sdelay $0x3  }
0x37: {  	[smem:$0x3FB5] =	sst s10  }
0x38: {  	s10 =	sld [smem:$0x3FB6]  }
0x39: {  	_ = 	snop;
	(pc) =	sbr.ind lr, $3  }
0x3a: {  	_ = 	snop  }
0x3b: {  	_ = 	snop  }
0x3c: {  	p2 =	seq.s32 s10, $0x1;
	s10 =	sld [smem:$0x3FB5]  }
0x3d: {  	_ =	shalt  }
0x3e: {  	_ =	shalt  }
0x3f: {  	_ =	shalt  }
0x40: {  	_ =	shalt  }
0x41: {  	_ =	shalt  }
0x42: {  	_ =	shalt  }
0x43: {  	_ =	shalt  }
0x44: {  	_ =	shalt  }
0x45: {  	_ =	shalt  }
0x46: {  	_ =	shalt  }
0x47: {  	_ =	shalt  }
0x48: {  	_ =	shalt  }
0x49: {  	_ =	shalt  }
0x4a: {  	_ =	shalt  }
0x4b: {  	_ =	shalt  }
0x4c: {  	_ =	shalt  }
0x4d: {  	_ =	shalt  }
0x4e: {  	_ =	shalt  }
0x4f: {  	_ =	shalt  }
0x50: {  	_ =	shalt  }
0x51: {  	_ =	shalt  }
0x52: {  	_ =	shalt  }
0x53: {  	_ =	shalt  }
0x54: {  	_ =	shalt  }
0x55: {  	_ =	shalt  }
0x56: {  	_ =	shalt  }
0x57: {  	_ =	shalt  }
0x58: {  	_ =	shalt  }
0x59: {  	_ =	shalt  }
0x5a: {  	_ =	shalt  }
0x5b: {  	_ =	shalt  }
0x5c: {  	_ =	shalt  }
0x5d: {  	_ =	shalt  }
0x5e: {  	_ =	shalt  }
0x5f: {  	_ =	shalt  }
0x60: {  	_ =	shalt  }
0x61: {  	_ =	shalt  }
0x62: {  	_ =	shalt  }
0x63: {  	_ =	shalt  }
0x64: {  	_ =	shalt  }
0x65: {  	_ =	shalt  }
0x66: {  	_ =	shalt  }
0x67: {  	_ =	shalt  }
0x68: {  	_ =	shalt  }
0x69: {  	_ =	shalt  }
0x6a: {  	_ =	shalt  }
0x6b: {  	_ =	shalt  }
0x6c: {  	_ =	shalt  }
0x6d: {  	_ =	shalt  }
0x6e: {  	_ =	shalt  }
0x6f: {  	_ =	shalt  }
0x70: {  	_ =	shalt  }
0x71: {  	_ =	shalt  }
0x72: {  	_ =	shalt  }
0x73: {  	_ =	shalt  }
0x74: {  	_ =	shalt  }
0x75: {  	_ =	shalt  }
0x76: {  	_ =	shalt  }
0x77: {  	_ =	shalt  }
0x78: {  	_ =	shalt  }
0x79: {  	_ =	shalt  }
0x7a: {  	_ =	shalt  }
0x7b: {  	_ =	shalt  }
0x7c: {  	_ =	shalt  }
0x7d: {  	_ =	shalt  }
0x7e: {  	_ =	shalt  }
0x7f: {  	_ =	shalt  }
0x80: {  	_ =	shalt  }
0x81: {  	_ =	shalt  }
0x82: {  	_ =	shalt  }
0x83: {  	_ =	shalt  }
0x84: {  	_ =	shalt  }
0x85: {  	_ =	shalt  }
0x86: {  	_ =	shalt  }
0x87: {  	_ =	shalt  }
.Lfunc_end0:
.L_simem_size_0:
called_computation.1_lowered:
.L_overlay_start_0:
0x88: {  	s2 =	sld [smem:$0x3FD9]  }
0x89: {  	s3 =	sld [smem:$0x3FFE];
	_ =	sdelay $0x1  }
0x8a: {  	s1 =	srdreg.scid  }
0x8b: {  	s0 =	sand.u32 $0x1, s1  }
0x8c: {  	s17 =	sshll.u32 s0, $0xA;
	s2 =	sadd.s32 s3, s2  }
0x8d: {  	s2 =	sadd.s32 s2, s17  }
0x8e: {  	[smem:$0x3FC1] =	sst s2  }
0x8f: {  	_ = 	snop  }
0x90: {  	s2 =	sld [smem:$0x3FD0];
	(tm) =	ssettm $0x1  }
0x91: {  	s18 =	sld [smem:$0x3FFB];
	_ =	sdelay $0x3  }
0x92: {  	_ =	strace s18  }
0x93: {  	s3 =	sld [smem:$0x3FFC];
	_ =	sdelay $0x3  }
0x94: {  	_ =	strace s3  }
0x95: {  	s3 =	sld [smem:$0x3FFD];
	_ =	sdelay $0x3  }
0x96: {  	_ =	strace s3  }
0x97: {  	_ =	strace $0x8FFFFFFF  }
0x98: {  	s19 =	sld [smem:$0x3FDB];
	_ =	sdelay $0x1  }
0x99: {  	s4 =	simm.s32 $_scs_section_size  }
0x9a: {  	s5 =	simm.s32 $_size__tile_overlayer_lowered;
	s6 =	simm.s32 $_tile_overlayer_lowered  }
0x9b: {  	s22 =	simm.s32 $0x1BFF;
	s21 =	sshll.u32 s6, $0x1;
	s3 =	sadd.s32 s4, s19  }
0x9c: {  	s7 =	simm.s32 $0x0;
	s20 =	sshll.u32 s5, $0x1;
	s5 =	sadd.s32 s21, s3  }
0x9d: {  	[timem:s7], [sflag:s22] =	dma.local [hbm:s5], s20  }
0x9e: {  	_ =	swait.ge [sflag:s22], s20  }
0x9f: {  	s4 =	ssub.s32 $0x0, s20;
	[sflag:s22] =	ssyncset.done $0x0  }
0xa0: {  	[sflag:s22] =	ssyncadd.s32 s4;
	_ =	sdelay $0x1  }
0xa1: {  	s23 =	simm.s32 $0x1B8B  }
0xa2: {  	_ =	swait.ge [sflag:s23], $0x1  }
0xa3: {  	[sflag:s23] =	ssyncset.done $0x0  }
0xa4: {  	s25 =	simm.s32 $0x1B8E;
	s24 =	sld [smem:$0x3FFE];
	[sflag:s23] =	ssyncadd.s32 $0xFFFFFFFF  }
0xa5: {  	s26 =	simm.s32 $execute0_lowered;
	[smem:$0x3FD2] =	sst s25  }
0xa6: {  	s5 =	sshll.u32 s26, $0x1;
	_ =	strace $0x80000049;
	[dreg:$0x1] =	wrdreg $0xFFFFFFFF  }
0xa7: {  	s28 =	simm.s32 $_size_execute0_lowered;
	s3 =	sadd.s32 s3, s5;
	[dreg:$0x0] =	wrdreg $0x0  }
0xa8: {  	s5 =	sshll.u32 s28, $0x1;
	[dreg:$0x2] =	wrdreg s3  }
0xa9: {  	[dreg:$0x3] =	wrdreg s5  }
0xaa: {  	[dreg:$0x4] =	wrdreg $0xC0  }
0xab: {  	_ =	task [dreg:s7], $0x5FFFF  }
0xac: {  	[dreg:$0x1] =	wrdreg $0xFFFFFFFF  }
0xad: {  	[dreg:$0x0] =	wrdreg $0x60  }
0xae: {  	[dreg:$0x2] =	wrdreg s2  }
0xaf: {  	[dreg:$0x3] =	wrdreg s24  }
0xb0: {  	[dreg:$0x4] =	wrdreg $0xDE000  }
0xb1: {  	[dreg:$0x5] =	wrdreg $0x9  }
0xb2: {  	_ =	task.clear_ibuf [dreg:s7], $0x6FFFF;
	_ =	strace $0x90000049  }
0xb3: {  	s29 =	simm.s32 $0x9;
	_ =	strace $0x8000004B  }
0xb4: {  	_ =	swait.ge [sflag:s29], $0x1  }
0xb5: {  	[sflag:s29] =	ssyncadd.s32 $0xFFFFFFFF  }
0xb6: {  	_ =	strace $0x9000004B  }
0xb7: {  	_ =	sfence  }
0xb8: {  	s30 =	sld [smem:$0x0];
	_ =	sdelay $0x2  }
0xb9: {  	s31 =	sshll.u32 s1, $0xD;
	s1 =	sshrl.u32 s1, $0x2  }
0xba: {  	s3 =	sand.u32 $0x4000, s31;
	s1 =	sadd.s32 s1, s30  }
0xbb: {  	s0 =	sor.u32 s3, s0;
	s1 =	sshll.u32 s1, $0x11  }
0xbc: {  	s0 =	sor.u32 s1, s0  }
0xbd: {  	s0 =	sadd.s32 $0x8F2B, s0  }
0xbe: {  	[sflag:s0] =	ssyncadd.remote.s32 $0x1  }
0xbf: {  	_ =	sfence.sel $0xFFFF  }
0xc0: {  	[dreg:$0x0] =	wrdreg $0xFFFFFFFF;
	(pc) =	sbr.abs _section_cstart, $3  }
0xc1: {  	[dreg:$0x1] =	wrdreg $0xFFFFFFFF  }
0xc2: {  	_ =	task.clear_ibuf [dreg:s7], $0x2FFFF;
	_ =	strace $0x9FFFFFFF  }
0xc3: {  	(tm) =	ssettm $0x7FFFFFFF  }
tec
execute0_lowered:
.L_overlay_start_1:
0x0: {  	(tag) =	ssettag $0x1  }
0x1: {  	s8 =	rddreg [dreg:$0x0]  }
0x2: {  	s5 =	rddreg [dreg:$0x1]  }
0x3: {  	s2 =	rddreg [dreg:$0x2]  }
0x4: {  	s0 =	rddreg [dreg:$0x3];
	s3 =	simm.s32 $0x0;
	s1 =	stileid.u32  }
0x5: {  	s4 =	srdreg.scid;
	s15 =	simm.s32 $0xBE00;
	s16 =	simm.s32 $0x1  }
0x6: {  	s17 =	simm.s32 $0x2;
	s18 =	simm.s32 $0x4E80;
	s19 =	simm.s32 $0x9D00  }
0x7: {  	s20 =	simm.s32 $0x9D80;
	[smem:$0x7FF] =	sst s3;
	s6 =	smul.u32 $0x9E0, s1  }
0x8: {  	s7 =	sand.u32 $0x1, s4;
	s4 =	sadd.s32 $0x14C00, s5;
	s11 =	smul.u32 $0x9E00, s1  }
0x9: {  	s31 =	sshll.u32 s1, $0x6;
	_ =	strace $0x8000004A;
	s9 =	smul.u32 $0x13C00, s7  }
0xa: {  	s29 =	ssub.s32 $0x2, s7;
	s13 =	smul.u32 $0x13880, s7;
	s10 =	sadd.s32 s6, s5  }
0xb: {  	s30 =	sshrl.u32 s29, $0x1;
	s14 =	sadd.s32 s11, s2;
	s22 =	sshrl.u32 s11, $0x3  }
0xc: {  	s11 =	simm.s32 $0x3;
	s9 =	sadd.s32 s9, s5;
	s12 =	ssub.s32 s29, s30  }
0xd: {  	s5 =	sor.u32 $0x1C03, s31;
	s6 =	sadd.s32 $0xAE00, s10;
	s7 =	sadd.s32 $0x1000, s10  }
0xe: {  	s8 =	sadd.s32 s8, s13;
	s10 =	sshrl.u32 s14, $0x3;
	s13 =	simm.s32 $0x80  }
0xf: {  	s14 =	simm.s32 $0x9E00;
	s21 =	sadd.s32 $0x16000, s9;
	s9 =	smax.u32 s12, $0x1  }
0x10: {  	s12 =	simm.s32 $0x4F00;
	s21 =	sadd.s32 s22, s21;
	s22 =	simm.s32 $0x0  }
.LBB2_1:
0x11: {  	[spmem:s10], [sflag:s5] =	dma.local [hbm:s4], $0x13C0  }
0x12: {  	_ =	swait.ge [sflag:s11], $0x13C0  }
0x13: {  	[sflag:s11] =	ssyncset.done $0x0  }
0x14: {  	[sflag:s11] =	ssyncadd.s32 $0xFFFFEC40  }
0x15: {  	[tilespmem:s3], [sflag:$0x3] =	stream.linear.gather [hbm4b:s6+s3], $0x4F00, $0x38;
	[tilespmem:$0x17C00] =	vst v63  }
0x16: {  	_ =	swait.ge [sflag:s11], $0x4F00  }
0x17: {  	[sflag:s11] =	ssyncset.done $0x0  }
0x18: {  	[sflag:s11] =	ssyncadd.s32 $0xFFFFB100  }
0x19: {  	[tilespmem:s12], [sflag:$0x3] =	stream.linear.gather [hbm4b:s7+s3], $0x4F00, $0x38;
	[tilespmem:$0x17C00] =	vst v63  }
0x1a: {  	_ =	swait.ge [sflag:s11], $0x4F00  }
0x1b: {  	[sflag:s11] =	ssyncset.done $0x0  }
0x1c: {  	[sflag:s11] =	ssyncadd.s32 $0xFFFFB100  }
0x1d: {  	[bflag:$0x0] =	sbarrier.arrive $0xFFFF  }
0x1e: {  	[tilespmem:s14], [sflag:$0x1] =	stream.indirect.gather [hbm4b:s8+s13], $0x40, s3, s13, $0xb8;
	[tilespmem:$0x17C00] =	vst v63  }
0x1f: {  	s23 =	simm.s32 $0x80  }
0x20: {  	[tilespmem:s15], [sflag:$0x2] =	stream.indirect.gather [hbm4b:s8+s13], $0x40, s23, s13, $0xb8;
	[tilespmem:$0x17C00] =	vst v63  }
0x21: {  	_ =	swait.ge [sflag:s16], $0x2000  }
0x22: {  	[sflag:s16] =	ssyncset.done $0x0  }
0x23: {  	s29 =	simm.s32 $0x4F00;
	[sflag:s16] =	ssyncadd.s32 $0xFFFFE000  }
0x24: {  	[spmem:s2] =	stream.indirect.scatter.add.f32 [tilespmem:s14], [sflag:$0x3], $0x40, s29, s13, $0xb8;
	[tilespmem:$0x17C00] =	vst v63  }
0x25: {  	_ =	swait.ge [sflag:s11], $0x2000  }
0x26: {  	[sflag:s11] =	ssyncset.done $0x0  }
0x27: {  	s30 =	simm.s32 $0x100;
	[sflag:s11] =	ssyncadd.s32 $0xFFFFE000  }
0x28: {  	[tilespmem:s14], [sflag:$0x1] =	stream.indirect.gather [hbm4b:s8+s13], $0x40, s30, s13, $0xb8;
	[tilespmem:$0x17C00] =	vst v63  }
0x29: {  	_ =	swait.ge [sflag:s17], $0x2000  }
0x2a: {  	[sflag:s17] =	ssyncset.done $0x0  }
0x2b: {  	s31 =	simm.s32 $0x4F80;
	[sflag:s17] =	ssyncadd.s32 $0xFFFFE000  }
0x2c: {  	[spmem:s2] =	stream.indirect.scatter.add.f32 [tilespmem:s15], [sflag:$0x3], $0x40, s31, s13, $0xb8;
	[tilespmem:$0x17C00] =	vst v63  }
0x2d: {  	_ =	swait.ge [sflag:s11], $0x2000  }
0x2e: {  	s24 =	simm.s32 $0x800;
	s23 =	simm.s32 $0x100;
	[sflag:s11] =	ssyncset.done $0x0  }
.LBB2_2:
0x2f: {  	s25 =	sadd.s32 $0x80, s23  }
0x30: {  	[sflag:s11] =	ssyncadd.s32 $0xFFFFE000;
	s26 =	smov.u32 s24;
	s28 =	sadd.s32 $0x400, s24  }
0x31: {  	[tilespmem:s15], [sflag:$0x2] =	stream.indirect.gather [hbm4b:s8+s13], $0x40, s25, s13, $0xb8;
	[tilespmem:$0x17C00] =	vst v63  }
0x32: {  	p0 =	sne.s32 s24, $0x13400;
	_ =	swait.ge [sflag:s16], $0x2000  }
0x33: {  	[sflag:s16] =	ssyncset.done $0x0  }
0x34: {  	s24 =	sadd.s32 $0x4F00, s23;
	[sflag:s16] =	ssyncadd.s32 $0xFFFFE000  }
0x35: {  	[spmem:s2] =	stream.indirect.scatter.add.f32 [tilespmem:s14], [sflag:$0x3], $0x40, s24, s13, $0xb8;
	[tilespmem:$0x17C00] =	vst v63  }
0x36: {  	_ =	swait.ge [sflag:s11], $0x2000  }
0x37: {  	[sflag:s11] =	ssyncset.done $0x0  }
0x38: {  	s24 =	sadd.s32 $0x100, s23;
	[sflag:s11] =	ssyncadd.s32 $0xFFFFE000  }
0x39: {  	[tilespmem:s14], [sflag:$0x1] =	stream.indirect.gather [hbm4b:s8+s13], $0x40, s24, s13, $0xb8;
	[tilespmem:$0x17C00] =	vst v63  }
0x3a: {  	_ =	swait.ge [sflag:s17], $0x2000  }
.Ltmp0:
0x3b: {  	[sflag:s17] =	ssyncset.done $0x0;
	(pc) =	sbr.rel @p0 .LBB2_2-.Ltmp0, $4  }
0x3c: {  	s23 =	sadd.s32 $0x4F80, s23;
	[sflag:s17] =	ssyncadd.s32 $0xFFFFE000  }
0x3d: {  	[spmem:s2] =	stream.indirect.scatter.add.f32 [tilespmem:s15], [sflag:$0x3], $0x40, s23, s13, $0xb8;
	[tilespmem:$0x17C00] =	vst v63  }
0x3e: {  	_ =	swait.ge [sflag:s11], $0x2000  }
0x3f: {  	s24 =	smov.u32 s28;
	s23 =	sshra.s32 s26, $0x2;
	[sflag:s11] =	ssyncset.done $0x0  }
0x40: {  	s24 =	sadd.s32 $0x80, s23;
	[sflag:s11] =	ssyncadd.s32 $0xFFFFE000  }
0x41: {  	[tilespmem:s15], [sflag:$0x2] =	stream.indirect.gather [hbm4b:s8+s13], $0x40, s24, s13, $0xb8;
	[tilespmem:$0x17C00] =	vst v63  }
0x42: {  	_ =	swait.ge [sflag:s16], $0x2000  }
0x43: {  	[sflag:s16] =	ssyncset.done $0x0  }
0x44: {  	s29 =	sadd.s32 $0x4F00, s23;
	[sflag:s16] =	ssyncadd.s32 $0xFFFFE000  }
0x45: {  	[spmem:s2] =	stream.indirect.scatter.add.f32 [tilespmem:s14], [sflag:$0x3], $0x40, s29, s13, $0xb8;
	[tilespmem:$0x17C00] =	vst v63  }
0x46: {  	_ =	swait.ge [sflag:s11], $0x2000  }
0x47: {  	[sflag:s11] =	ssyncset.done $0x0  }
0x48: {  	s30 =	sadd.s32 $0x100, s23;
	[sflag:s11] =	ssyncadd.s32 $0xFFFFE000  }
0x49: {  	[tilespmem:s14], [sflag:$0x1] =	stream.indirect.gather [hbm4b:s8+s13], $0x40, s30, s13, $0xb8;
	[tilespmem:$0x17C00] =	vst v63  }
0x4a: {  	_ =	swait.ge [sflag:s17], $0x2000  }
0x4b: {  	[sflag:s17] =	ssyncset.done $0x0  }
0x4c: {  	s31 =	sadd.s32 $0x4F80, s23;
	[sflag:s17] =	ssyncadd.s32 $0xFFFFE000  }
0x4d: {  	[spmem:s2] =	stream.indirect.scatter.add.f32 [tilespmem:s15], [sflag:$0x3], $0x40, s31, s13, $0xb8;
	[tilespmem:$0x17C00] =	vst v63  }
0x4e: {  	_ =	swait.ge [sflag:s11], $0x2000  }
0x4f: {  	[sflag:s11] =	ssyncset.done $0x0  }
0x50: {  	[sflag:s11] =	ssyncadd.s32 $0xFFFFE000  }
0x51: {  	[tilespmem:s15], [sflag:$0x2] =	stream.indirect.gather [hbm4b:s8+s13], $0x40, s18, s13, $0xb8;
	[tilespmem:$0x17C00] =	vst v63  }
0x52: {  	_ =	swait.ge [sflag:s16], $0x2000  }
0x53: {  	[sflag:s16] =	ssyncset.done $0x0  }
0x54: {  	[sflag:s16] =	ssyncadd.s32 $0xFFFFE000  }
0x55: {  	[spmem:s2] =	stream.indirect.scatter.add.f32 [tilespmem:s14], [sflag:$0x3], $0x40, s19, s13, $0xb8;
	[tilespmem:$0x17C00] =	vst v63  }
0x56: {  	_ =	swait.ge [sflag:s11], $0x2000  }
0x57: {  	[sflag:s11] =	ssyncset.done $0x0  }
0x58: {  	[sflag:s11] =	ssyncadd.s32 $0xFFFFE000  }
0x59: {  	_ =	swait.ge [sflag:s17], $0x2000  }
0x5a: {  	[sflag:s17] =	ssyncset.done $0x0  }
0x5b: {  	[sflag:s17] =	ssyncadd.s32 $0xFFFFE000  }
0x5c: {  	[spmem:s2] =	stream.indirect.scatter.add.f32 [tilespmem:s15], [sflag:$0x3], $0x40, s20, s13, $0xb8;
	[tilespmem:$0x17C00] =	vst v63  }
0x5d: {  	_ =	swait.ge [sflag:s11], $0x2000  }
0x5e: {  	s22 =	sadd.s32 $0x1, s22;
	[sflag:s11] =	ssyncset.done $0x0  }
0x5f: {  	p0 =	sne.s32 s22, s9;
	[sflag:s11] =	ssyncadd.s32 $0xFFFFE000  }
.Ltmp1:
0x60: {  	[bflag:$0x0] =	sbarrier.arrive $0xFFFF;
	(pc) =	sbr.rel @p0 .LBB2_1-.Ltmp1, $4  }
0x61: {  	[hbm:s21], [sflag:s5] =	dma.local [spmem:s10], $0x13C0  }
0x62: {  	_ =	swait.ge [sflag:s11], $0x13C0  }
0x63: {  	[sflag:s11] =	ssyncset.done $0x0  }
0x64: {  	[sflag:s11] =	ssyncadd.s32 $0xFFFFEC40  }
0x65: {  	_ =	sfence.sel $0x180000  }
0x66: {  	[bflag:$0x0] =	sbarrier.arrive $0xFFFF  }
0x67: {  	p0 =	sne.s32 s1, $0x0;
	_ =	strace $0x9000004A  }
0x68: {  	s0 =	sadd.s32 @!p0 $0x100000, s0;
	[bflag:$0x2] =	sbarrier.arrive $0xFFFF  }
0x69: {  	[sflag:s0] =	ssyncadd.tile.s32 @!p0 $0x1;
	_ =	shalt  }
.Lfunc_end2:
_tile_overlayer_lowered:
.L_overlay_start_2:
0x6a: {  	(tag) =	ssettag $0x2  }
0x6b: {  	s0 =	rddreg [dreg:$0x0];
	s2 =	stileid.u32  }
0x6c: {  	s1 =	rddreg [dreg:$0x1];
	p0 =	sne.s32 s2, $0x0  }
0x6d: {  	s3 =	rddreg [dreg:$0x2];
	[bflag:$0x3] =	sbarrier.arrive $0xFFFF;
	s2 =	simm.s32 @!p0 $0x1C03  }
0x6e: {  	[timem:s3], [sflag:s2] =	dma.local @!p0 [hbm:s0], s1  }
0x6f: {  	s0 =	simm.s32 @!p0 $0x3  }
0x70: {  	_ =	swait.ge @!p0 [sflag:s0], s1  }
0x71: {  	s1 =	ssub.s32 @!p0 $0x0, s1;
	[sflag:s0] =	ssyncset.done @!p0 $0x0  }
0x72: {  	[sflag:s0] =	ssyncadd.s32 @!p0 s1  }
0x73: {  	[bflag:$0x3] =	sbarrier.arrive $0xFFFF  }
0x74: {  	_ =	shalt  }

// kernel: kernel.8.cloned.1.call-start
scs
__scs_entry_jumppad:
0x0: {  	(pc) =	sbr.rel $0x88, $3  }
0x1: {  	(tag) =	ssettag $0x0;
	lr =	simm.s32 $0x1  }
0x2: {  	[smem:$0x3F9A] =	sst lr;
	_ =	strace $0xD0000000  }
0x3: {  	_ = 	snop  }
0x4: {  	_ = 	snop  }
0x5: {  	_ = 	snop  }
0x6: {  	_ = 	snop  }
0x7: {  	_ = 	snop  }
__scs_overlays_trampoline_lowered:
0x8: {  	[smem:$0x3FA9] =	sst s0  }
0x9: {  	[smem:$0x3FAA] =	sst s1  }
0xa: {  	[smem:$0x3FAB] =	sst s2  }
0xb: {  	[smem:$0x3FAC] =	sst s3  }
0xc: {  	[smem:$0x3FAD] =	sst s4  }
0xd: {  	[smem:$0x3FAE] =	sst s5  }
0xe: {  	[smem:$0x3FAF] =	sst s6  }
0xf: {  	[smem:$0x3FB0] =	sst s7  }
0x10: {  	[smem:$0x3FB1] =	sst s8  }
0x11: {  	[smem:$0x3FB2] =	sst s9;
	s0 =	simm.s32 @!p0 $0x0  }
0x12: {  	s1 =	sld [smem:$0x3F98];
	s0 =	simm.s32 @p0 $0x1  }
0x13: {  	[smem:$0x3FB3] =	sst s0;
	s0 =	simm.s32 @!p1 $0x0  }
0x14: {  	s2 =	sld [smem:$0x3F97];
	s0 =	simm.s32 @p1 $0x1  }
0x15: {  	[smem:$0x3FB4] =	sst s0;
	s0 =	simm.s32 @!p2 $0x0  }
0x16: {  	s3 =	sld [smem:$0x3FDB];
	s0 =	simm.s32 @p2 $0x1  }
0x17: {  	s4 =	simm.s32 $0x1BF5;
	[smem:$0x3FB6] =	sst s0  }
0x18: {  	s0 =	sld [smem:$0x3F99];
	_ =	swait.ge [sflag:s4], $0x0  }
0x19: {  	s7 =	sld [smem:$0x3F9A]  }
0x1a: {  	s8 =	sadd.s32 $0xFFFFE003, lr  }
0x1b: {  	s9 =	sadd.s32 $0xFFFFFEF7, lr;
	s5 =	simm.s32 $0xFFFFFFFF;
	p2 =	slt.u32 s8, $0xFFFFF086  }
0x1c: {  	p1 =	slt.u32 s9, $0xF7A;
	s5 =	simm.s32 @!p2 $0x0  }
0x1d: {  	s5 =	simm.s32 @p1 $0x1;
	p0 =	seq.s32 s7, s2  }
0x1e: {  	s7 =	smul.u32 @!p0 $0xF7A, s2;
	p2 =	seq.s32 @!p0 s5, $0x0  }
0x1f: {  	s9 =	smul.u32 $0xF7A, s1;
	s8 =	simm.s32 @!p0 $0x1BF5;
	p2 =	por !p2, p0  }
0x20: {  	[sflag:s8] =	ssyncset.s32 @!p0 $0xFFFFF086;
	s6 =	sadd.s32 @!p0 s3, s7;
	s7 =	simm.s32 @!p0 $0x108  }
0x21: {  	s3 =	sadd.s32 s3, s9;
	s6 =	sadd.s32 @!p0 $0x88, s6;
	s7 =	simm.s32 @p2 $0x1082  }
0x22: {  	[simem:s7], [sflag:s8] =	dma.local @!p0 [hbm:s6], $0xF7A  }
0x23: {  	s9 =	sor.u32 $0xD0000000, s2;
	s6 =	simm.s32 $0x108;
	_ =	swait.ge @!p0 [sflag:s8], $0x0  }
0x24: {  	s3 =	sadd.s32 $0x88, s3;
	s6 =	simm.s32 @!p1 $0x1082;
	[sflag:s4] =	ssyncset.s32 $0xFFFFF086  }
0x25: {  	[simem:s6], [sflag:s4] =	dma.local [hbm:s3], $0xF7A  }
0x26: {  	[smem:$0x3F9A] =	sst s1;
	(tag) =	ssettag s2;
	_ =	strace s9  }
0x27: {  	s1 =	sld [smem:$0x3FAA]  }
0x28: {  	s2 =	sld [smem:$0x3FAB]  }
0x29: {  	s4 =	sld [smem:$0x3FAD]  }
0x2a: {  	p0 =	seq.s32 s5, $0x0;
	s5 =	sld [smem:$0x3FAE]  }
0x2b: {  	s6 =	sld [smem:$0x3FAF]  }
0x2c: {  	s7 =	sld [smem:$0x3FB0]  }
0x2d: {  	s3 =	simm.s32 $0x108;
	s8 =	sld [smem:$0x3FB1]  }
0x2e: {  	s3 =	simm.s32 @!p0 $0x1082;
	s9 =	sld [smem:$0x3FB2]  }
0x2f: {  	lr =	sadd.s32 s0, s3;
	s0 =	sld [smem:$0x3FA9]  }
0x30: {  	s3 =	sld [smem:$0x3FAC]  }
0x31: {  	[smem:$0x3FB5] =	sst s10  }
0x32: {  	s10 =	sld [smem:$0x3FB3];
	_ =	sdelay $0x3  }
0x33: {  	p0 =	seq.s32 s10, $0x1;
	s10 =	sld [smem:$0x3FB5];
	_ =	sdelay $0x3  }
0x34: {  	[smem:$0x3FB5] =	sst s10  }
0x35: {  	s10 =	sld [smem:$0x3FB4];
	_ =	sdelay $0x3  }
0x36: {  	p1 =	seq.s32 s10, $0x1;
	s10 =	sld [smem:$0x3FB5];
	_ =	sdelay $0x3  }
0x37: {  	[smem:$0x3FB5] =	sst s10  }
0x38: {  	s10 =	sld [smem:$0x3FB6]  }
0x39: {  	_ = 	snop;
	(pc) =	sbr.ind lr, $3  }
0x3a: {  	_ = 	snop  }
0x3b: {  	_ = 	snop  }
0x3c: {  	p2 =	seq.s32 s10, $0x1;
	s10 =	sld [smem:$0x3FB5]  }
0x3d: {  	_ =	shalt  }
0x3e: {  	_ =	shalt  }
0x3f: {  	_ =	shalt  }
0x40: {  	_ =	shalt  }
0x41: {  	_ =	shalt  }
0x42: {  	_ =	shalt  }
0x43: {  	_ =	shalt  }
0x44: {  	_ =	shalt  }
0x45: {  	_ =	shalt  }
0x46: {  	_ =	shalt  }
0x47: {  	_ =	shalt  }
0x48: {  	_ =	shalt  }
0x49: {  	_ =	shalt  }
0x4a: {  	_ =	shalt  }
0x4b: {  	_ =	shalt  }
0x4c: {  	_ =	shalt  }
0x4d: {  	_ =	shalt  }
0x4e: {  	_ =	shalt  }
0x4f: {  	_ =	shalt  }
0x50: {  	_ =	shalt  }
0x51: {  	_ =	shalt  }
0x52: {  	_ =	shalt  }
0x53: {  	_ =	shalt  }
0x54: {  	_ =	shalt  }
0x55: {  	_ =	shalt  }
0x56: {  	_ =	shalt  }
0x57: {  	_ =	shalt  }
0x58: {  	_ =	shalt  }
0x59: {  	_ =	shalt  }
0x5a: {  	_ =	shalt  }
0x5b: {  	_ =	shalt  }
0x5c: {  	_ =	shalt  }
0x5d: {  	_ =	shalt  }
0x5e: {  	_ =	shalt  }
0x5f: {  	_ =	shalt  }
0x60: {  	_ =	shalt  }
0x61: {  	_ =	shalt  }
0x62: {  	_ =	shalt  }
0x63: {  	_ =	shalt  }
0x64: {  	_ =	shalt  }
0x65: {  	_ =	shalt  }
0x66: {  	_ =	shalt  }
0x67: {  	_ =	shalt  }
0x68: {  	_ =	shalt  }
0x69: {  	_ =	shalt  }
0x6a: {  	_ =	shalt  }
0x6b: {  	_ =	shalt  }
0x6c: {  	_ =	shalt  }
0x6d: {  	_ =	shalt  }
0x6e: {  	_ =	shalt  }
0x6f: {  	_ =	shalt  }
0x70: {  	_ =	shalt  }
0x71: {  	_ =	shalt  }
0x72: {  	_ =	shalt  }
0x73: {  	_ =	shalt  }
0x74: {  	_ =	shalt  }
0x75: {  	_ =	shalt  }
0x76: {  	_ =	shalt  }
0x77: {  	_ =	shalt  }
0x78: {  	_ =	shalt  }
0x79: {  	_ =	shalt  }
0x7a: {  	_ =	shalt  }
0x7b: {  	_ =	shalt  }
0x7c: {  	_ =	shalt  }
0x7d: {  	_ =	shalt  }
0x7e: {  	_ =	shalt  }
0x7f: {  	_ =	shalt  }
0x80: {  	_ =	shalt  }
0x81: {  	_ =	shalt  }
0x82: {  	_ =	shalt  }
0x83: {  	_ =	shalt  }
0x84: {  	_ =	shalt  }
0x85: {  	_ =	shalt  }
0x86: {  	_ =	shalt  }
0x87: {  	_ =	shalt  }
.Lfunc_end0:
.L_simem_size_0:
called_computation_lowered:
.L_overlay_start_0:
0x88: {  	s2 =	sld [smem:$0x3FD9]  }
0x89: {  	s3 =	sld [smem:$0x3FFE];
	_ =	sdelay $0x1  }
0x8a: {  	s1 =	srdreg.scid  }
0x8b: {  	s0 =	sand.u32 $0x1, s1  }
0x8c: {  	s17 =	sshll.u32 s0, $0xA;
	s2 =	sadd.s32 s3, s2  }
0x8d: {  	s2 =	sadd.s32 s2, s17  }
0x8e: {  	[smem:$0x3FC1] =	sst s2  }
0x8f: {  	_ = 	snop  }
0x90: {  	s2 =	sld [smem:$0x3FD0];
	(tm) =	ssettm $0x1  }
0x91: {  	s18 =	sld [smem:$0x3FFB];
	_ =	sdelay $0x3  }
0x92: {  	_ =	strace s18  }
0x93: {  	s3 =	sld [smem:$0x3FFC];
	_ =	sdelay $0x3  }
0x94: {  	_ =	strace s3  }
0x95: {  	s3 =	sld [smem:$0x3FFD];
	_ =	sdelay $0x3  }
0x96: {  	_ =	strace s3  }
0x97: {  	_ =	strace $0x8FFFFFFF  }
0x98: {  	s19 =	sld [smem:$0x3FDB];
	_ =	sdelay $0x1  }
0x99: {  	s4 =	simm.s32 $_scs_section_size  }
0x9a: {  	s5 =	simm.s32 $_size__tile_overlayer_lowered;
	s6 =	simm.s32 $_tile_overlayer_lowered  }
0x9b: {  	s22 =	simm.s32 $0x1BFF;
	s21 =	sshll.u32 s6, $0x1;
	s3 =	sadd.s32 s4, s19  }
0x9c: {  	s7 =	simm.s32 $0x0;
	s20 =	sshll.u32 s5, $0x1;
	s5 =	sadd.s32 s21, s3  }
0x9d: {  	[timem:s7], [sflag:s22] =	dma.local [hbm:s5], s20  }
0x9e: {  	_ =	swait.ge [sflag:s22], s20  }
0x9f: {  	s4 =	ssub.s32 $0x0, s20;
	[sflag:s22] =	ssyncset.done $0x0  }
0xa0: {  	[sflag:s22] =	ssyncadd.s32 s4;
	_ =	sdelay $0x1  }
0xa1: {  	s23 =	simm.s32 $0x1B8B  }
0xa2: {  	_ =	swait.ge [sflag:s23], $0x1  }
0xa3: {  	[sflag:s23] =	ssyncset.done $0x0  }
0xa4: {  	s25 =	simm.s32 $0x1B8E;
	s24 =	sld [smem:$0x3FFE];
	[sflag:s23] =	ssyncadd.s32 $0xFFFFFFFF  }
0xa5: {  	s26 =	simm.s32 $execute0_lowered;
	[smem:$0x3FD2] =	sst s25  }
0xa6: {  	s5 =	sshll.u32 s26, $0x1;
	_ =	strace $0x80000046;
	[dreg:$0x1] =	wrdreg $0xFFFFFFFF  }
0xa7: {  	s28 =	simm.s32 $_size_execute0_lowered;
	s3 =	sadd.s32 s3, s5;
	[dreg:$0x0] =	wrdreg $0x0  }
0xa8: {  	s5 =	sshll.u32 s28, $0x1;
	[dreg:$0x2] =	wrdreg s3  }
0xa9: {  	[dreg:$0x3] =	wrdreg s5  }
0xaa: {  	[dreg:$0x4] =	wrdreg $0xC0  }
0xab: {  	_ =	task [dreg:s7], $0x5FFFF  }
0xac: {  	[dreg:$0x1] =	wrdreg $0xFFFFFFFF  }
0xad: {  	[dreg:$0x0] =	wrdreg $0x60  }
0xae: {  	[dreg:$0x2] =	wrdreg s2  }
0xaf: {  	[dreg:$0x3] =	wrdreg s24  }
0xb0: {  	[dreg:$0x4] =	wrdreg $0xDE000  }
0xb1: {  	[dreg:$0x5] =	wrdreg $0x9  }
0xb2: {  	_ =	task.clear_ibuf [dreg:s7], $0x6FFFF;
	_ =	strace $0x90000046  }
0xb3: {  	s29 =	simm.s32 $0x9;
	_ =	strace $0x80000048  }
0xb4: {  	_ =	swait.ge [sflag:s29], $0x1  }
0xb5: {  	[sflag:s29] =	ssyncadd.s32 $0xFFFFFFFF  }
0xb6: {  	_ =	strace $0x90000048  }
0xb7: {  	_ =	sfence  }
0xb8: {  	s30 =	sld [smem:$0x0];
	_ =	sdelay $0x2  }
0xb9: {  	s31 =	sshll.u32 s1, $0xD;
	s1 =	sshrl.u32 s1, $0x2  }
0xba: {  	s3 =	sand.u32 $0x4000, s31;
	s1 =	sadd.s32 s1, s30  }
0xbb: {  	s0 =	sor.u32 s3, s0;
	s1 =	sshll.u32 s1, $0x11  }
0xbc: {  	s0 =	sor.u32 s1, s0  }
0xbd: {  	s0 =	sadd.s32 $0x8F2B, s0  }
0xbe: {  	[sflag:s0] =	ssyncadd.remote.s32 $0x1  }
0xbf: {  	_ =	sfence.sel $0xFFFF  }
0xc0: {  	[dreg:$0x0] =	wrdreg $0xFFFFFFFF;
	(pc) =	sbr.abs _section_cstart, $3  }
0xc1: {  	[dreg:$0x1] =	wrdreg $0xFFFFFFFF  }
0xc2: {  	_ =	task.clear_ibuf [dreg:s7], $0x2FFFF;
	_ =	strace $0x9FFFFFFF  }
0xc3: {  	(tm) =	ssettm $0x7FFFFFFF  }
tec
execute0_lowered:
.L_overlay_start_1:
0x0: {  	(tag) =	ssettag $0x1  }
0x1: {  	s8 =	rddreg [dreg:$0x0]  }
0x2: {  	s5 =	rddreg [dreg:$0x1]  }
0x3: {  	s2 =	rddreg [dreg:$0x2]  }
0x4: {  	s0 =	rddreg [dreg:$0x3];
	s3 =	simm.s32 $0x0;
	s1 =	stileid.u32  }
0x5: {  	s4 =	srdreg.scid;
	s15 =	simm.s32 $0xBE00;
	s16 =	simm.s32 $0x1  }
0x6: {  	s17 =	simm.s32 $0x2;
	s18 =	simm.s32 $0x4E80;
	s19 =	simm.s32 $0x9D00  }
0x7: {  	s20 =	simm.s32 $0x9D80;
	[smem:$0x7FF] =	sst s3;
	s6 =	smul.u32 $0x9E0, s1  }
0x8: {  	s7 =	sand.u32 $0x1, s4;
	s4 =	sadd.s32 $0x14C00, s5;
	s11 =	smul.u32 $0x9E00, s1  }
0x9: {  	s31 =	sshll.u32 s1, $0x6;
	_ =	strace $0x80000047;
	s9 =	smul.u32 $0x13C00, s7  }
0xa: {  	s29 =	ssub.s32 $0x2, s7;
	s13 =	smul.u32 $0x13880, s7;
	s10 =	sadd.s32 s6, s5  }
0xb: {  	s30 =	sshrl.u32 s29, $0x1;
	s14 =	sadd.s32 s11, s2;
	s22 =	sshrl.u32 s11, $0x3  }
0xc: {  	s11 =	simm.s32 $0x3;
	s9 =	sadd.s32 s9, s5;
	s12 =	ssub.s32 s29, s30  }
0xd: {  	s5 =	sor.u32 $0x1C03, s31;
	s6 =	sadd.s32 $0xAE00, s10;
	s7 =	sadd.s32 $0x1000, s10  }
0xe: {  	s8 =	sadd.s32 s8, s13;
	s10 =	sshrl.u32 s14, $0x3;
	s13 =	simm.s32 $0x80  }
0xf: {  	s14 =	simm.s32 $0x9E00;
	s21 =	sadd.s32 $0x16000, s9;
	s9 =	smax.u32 s12, $0x1  }
0x10: {  	s12 =	simm.s32 $0x4F00;
	s21 =	sadd.s32 s22, s21;
	s22 =	simm.s32 $0x0  }
.LBB2_1:
0x11: {  	[spmem:s10], [sflag:s5] =	dma.local [hbm:s4], $0x13C0  }
0x12: {  	_ =	swait.ge [sflag:s11], $0x13C0  }
0x13: {  	[sflag:s11] =	ssyncset.done $0x0  }
0x14: {  	[sflag:s11] =	ssyncadd.s32 $0xFFFFEC40  }
0x15: {  	[tilespmem:s3], [sflag:$0x3] =	stream.linear.gather [hbm4b:s6+s3], $0x4F00, $0x38;
	[tilespmem:$0x17C00] =	vst v63  }
0x16: {  	_ =	swait.ge [sflag:s11], $0x4F00  }
0x17: {  	[sflag:s11] =	ssyncset.done $0x0  }
0x18: {  	[sflag:s11] =	ssyncadd.s32 $0xFFFFB100  }
0x19: {  	[tilespmem:s12], [sflag:$0x3] =	stream.linear.gather [hbm4b:s7+s3], $0x4F00, $0x38;
	[tilespmem:$0x17C00] =	vst v63  }
0x1a: {  	_ =	swait.ge [sflag:s11], $0x4F00  }
0x1b: {  	[sflag:s11] =	ssyncset.done $0x0  }
0x1c: {  	[sflag:s11] =	ssyncadd.s32 $0xFFFFB100  }
0x1d: {  	[bflag:$0x0] =	sbarrier.arrive $0xFFFF  }
0x1e: {  	[tilespmem:s14], [sflag:$0x1] =	stream.indirect.gather [hbm4b:s8+s13], $0x40, s3, s13, $0xb8;
	[tilespmem:$0x17C00] =	vst v63  }
0x1f: {  	s23 =	simm.s32 $0x80  }
0x20: {  	[tilespmem:s15], [sflag:$0x2] =	stream.indirect.gather [hbm4b:s8+s13], $0x40, s23, s13, $0xb8;
	[tilespmem:$0x17C00] =	vst v63  }
0x21: {  	_ =	swait.ge [sflag:s16], $0x2000  }
0x22: {  	[sflag:s16] =	ssyncset.done $0x0  }
0x23: {  	s29 =	simm.s32 $0x4F00;
	[sflag:s16] =	ssyncadd.s32 $0xFFFFE000  }
0x24: {  	[spmem:s2] =	stream.indirect.scatter.add.f32 [tilespmem:s14], [sflag:$0x3], $0x40, s29, s13, $0xb8;
	[tilespmem:$0x17C00] =	vst v63  }
0x25: {  	_ =	swait.ge [sflag:s11], $0x2000  }
0x26: {  	[sflag:s11] =	ssyncset.done $0x0  }
0x27: {  	s30 =	simm.s32 $0x100;
	[sflag:s11] =	ssyncadd.s32 $0xFFFFE000  }
0x28: {  	[tilespmem:s14], [sflag:$0x1] =	stream.indirect.gather [hbm4b:s8+s13], $0x40, s30, s13, $0xb8;
	[tilespmem:$0x17C00] =	vst v63  }
0x29: {  	_ =	swait.ge [sflag:s17], $0x2000  }
0x2a: {  	[sflag:s17] =	ssyncset.done $0x0  }
0x2b: {  	s31 =	simm.s32 $0x4F80;
	[sflag:s17] =	ssyncadd.s32 $0xFFFFE000  }
0x2c: {  	[spmem:s2] =	stream.indirect.scatter.add.f32 [tilespmem:s15], [sflag:$0x3], $0x40, s31, s13, $0xb8;
	[tilespmem:$0x17C00] =	vst v63  }
0x2d: {  	_ =	swait.ge [sflag:s11], $0x2000  }
0x2e: {  	s24 =	simm.s32 $0x800;
	s23 =	simm.s32 $0x100;
	[sflag:s11] =	ssyncset.done $0x0  }
.LBB2_2:
0x2f: {  	s25 =	sadd.s32 $0x80, s23  }
0x30: {  	[sflag:s11] =	ssyncadd.s32 $0xFFFFE000;
	s26 =	smov.u32 s24;
	s28 =	sadd.s32 $0x400, s24  }
0x31: {  	[tilespmem:s15], [sflag:$0x2] =	stream.indirect.gather [hbm4b:s8+s13], $0x40, s25, s13, $0xb8;
	[tilespmem:$0x17C00] =	vst v63  }
0x32: {  	p0 =	sne.s32 s24, $0x13400;
	_ =	swait.ge [sflag:s16], $0x2000  }
0x33: {  	[sflag:s16] =	ssyncset.done $0x0  }
0x34: {  	s24 =	sadd.s32 $0x4F00, s23;
	[sflag:s16] =	ssyncadd.s32 $0xFFFFE000  }
0x35: {  	[spmem:s2] =	stream.indirect.scatter.add.f32 [tilespmem:s14], [sflag:$0x3], $0x40, s24, s13, $0xb8;
	[tilespmem:$0x17C00] =	vst v63  }
0x36: {  	_ =	swait.ge [sflag:s11], $0x2000  }
0x37: {  	[sflag:s11] =	ssyncset.done $0x0  }
0x38: {  	s24 =	sadd.s32 $0x100, s23;
	[sflag:s11] =	ssyncadd.s32 $0xFFFFE000  }
0x39: {  	[tilespmem:s14], [sflag:$0x1] =	stream.indirect.gather [hbm4b:s8+s13], $0x40, s24, s13, $0xb8;
	[tilespmem:$0x17C00] =	vst v63  }
0x3a: {  	_ =	swait.ge [sflag:s17], $0x2000  }
.Ltmp0:
0x3b: {  	[sflag:s17] =	ssyncset.done $0x0;
	(pc) =	sbr.rel @p0 .LBB2_2-.Ltmp0, $4  }
0x3c: {  	s23 =	sadd.s32 $0x4F80, s23;
	[sflag:s17] =	ssyncadd.s32 $0xFFFFE000  }
0x3d: {  	[spmem:s2] =	stream.indirect.scatter.add.f32 [tilespmem:s15], [sflag:$0x3], $0x40, s23, s13, $0xb8;
	[tilespmem:$0x17C00] =	vst v63  }
0x3e: {  	_ =	swait.ge [sflag:s11], $0x2000  }
0x3f: {  	s24 =	smov.u32 s28;
	s23 =	sshra.s32 s26, $0x2;
	[sflag:s11] =	ssyncset.done $0x0  }
0x40: {  	s24 =	sadd.s32 $0x80, s23;
	[sflag:s11] =	ssyncadd.s32 $0xFFFFE000  }
0x41: {  	[tilespmem:s15], [sflag:$0x2] =	stream.indirect.gather [hbm4b:s8+s13], $0x40, s24, s13, $0xb8;
	[tilespmem:$0x17C00] =	vst v63  }
0x42: {  	_ =	swait.ge [sflag:s16], $0x2000  }
0x43: {  	[sflag:s16] =	ssyncset.done $0x0  }
0x44: {  	s29 =	sadd.s32 $0x4F00, s23;
	[sflag:s16] =	ssyncadd.s32 $0xFFFFE000  }
0x45: {  	[spmem:s2] =	stream.indirect.scatter.add.f32 [tilespmem:s14], [sflag:$0x3], $0x40, s29, s13, $0xb8;
	[tilespmem:$0x17C00] =	vst v63  }
0x46: {  	_ =	swait.ge [sflag:s11], $0x2000  }
0x47: {  	[sflag:s11] =	ssyncset.done $0x0  }
0x48: {  	s30 =	sadd.s32 $0x100, s23;
	[sflag:s11] =	ssyncadd.s32 $0xFFFFE000  }
0x49: {  	[tilespmem:s14], [sflag:$0x1] =	stream.indirect.gather [hbm4b:s8+s13], $0x40, s30, s13, $0xb8;
	[tilespmem:$0x17C00] =	vst v63  }
0x4a: {  	_ =	swait.ge [sflag:s17], $0x2000  }
0x4b: {  	[sflag:s17] =	ssyncset.done $0x0  }
0x4c: {  	s31 =	sadd.s32 $0x4F80, s23;
	[sflag:s17] =	ssyncadd.s32 $0xFFFFE000  }
0x4d: {  	[spmem:s2] =	stream.indirect.scatter.add.f32 [tilespmem:s15], [sflag:$0x3], $0x40, s31, s13, $0xb8;
	[tilespmem:$0x17C00] =	vst v63  }
0x4e: {  	_ =	swait.ge [sflag:s11], $0x2000  }
0x4f: {  	[sflag:s11] =	ssyncset.done $0x0  }
0x50: {  	[sflag:s11] =	ssyncadd.s32 $0xFFFFE000  }
0x51: {  	[tilespmem:s15], [sflag:$0x2] =	stream.indirect.gather [hbm4b:s8+s13], $0x40, s18, s13, $0xb8;
	[tilespmem:$0x17C00] =	vst v63  }
0x52: {  	_ =	swait.ge [sflag:s16], $0x2000  }
0x53: {  	[sflag:s16] =	ssyncset.done $0x0  }
0x54: {  	[sflag:s16] =	ssyncadd.s32 $0xFFFFE000  }
0x55: {  	[spmem:s2] =	stream.indirect.scatter.add.f32 [tilespmem:s14], [sflag:$0x3], $0x40, s19, s13, $0xb8;
	[tilespmem:$0x17C00] =	vst v63  }
0x56: {  	_ =	swait.ge [sflag:s11], $0x2000  }
0x57: {  	[sflag:s11] =	ssyncset.done $0x0  }
0x58: {  	[sflag:s11] =	ssyncadd.s32 $0xFFFFE000  }
0x59: {  	_ =	swait.ge [sflag:s17], $0x2000  }
0x5a: {  	[sflag:s17] =	ssyncset.done $0x0  }
0x5b: {  	[sflag:s17] =	ssyncadd.s32 $0xFFFFE000  }
0x5c: {  	[spmem:s2] =	stream.indirect.scatter.add.f32 [tilespmem:s15], [sflag:$0x3], $0x40, s20, s13, $0xb8;
	[tilespmem:$0x17C00] =	vst v63  }
0x5d: {  	_ =	swait.ge [sflag:s11], $0x2000  }
0x5e: {  	s22 =	sadd.s32 $0x1, s22;
	[sflag:s11] =	ssyncset.done $0x0  }
0x5f: {  	p0 =	sne.s32 s22, s9;
	[sflag:s11] =	ssyncadd.s32 $0xFFFFE000  }
.Ltmp1:
0x60: {  	[bflag:$0x0] =	sbarrier.arrive $0xFFFF;
	(pc) =	sbr.rel @p0 .LBB2_1-.Ltmp1, $4  }
0x61: {  	[hbm:s21], [sflag:s5] =	dma.local [spmem:s10], $0x13C0  }
0x62: {  	_ =	swait.ge [sflag:s11], $0x13C0  }
0x63: {  	[sflag:s11] =	ssyncset.done $0x0  }
0x64: {  	[sflag:s11] =	ssyncadd.s32 $0xFFFFEC40  }
0x65: {  	_ =	sfence.sel $0x180000  }
0x66: {  	[bflag:$0x0] =	sbarrier.arrive $0xFFFF  }
0x67: {  	p0 =	sne.s32 s1, $0x0;
	_ =	strace $0x90000047  }
0x68: {  	s0 =	sadd.s32 @!p0 $0x100000, s0;
	[bflag:$0x2] =	sbarrier.arrive $0xFFFF  }
0x69: {  	[sflag:s0] =	ssyncadd.tile.s32 @!p0 $0x1;
	_ =	shalt  }
.Lfunc_end2:
_tile_overlayer_lowered:
.L_overlay_start_2:
0x6a: {  	(tag) =	ssettag $0x2  }
0x6b: {  	s0 =	rddreg [dreg:$0x0];
	s2 =	stileid.u32  }
0x6c: {  	s1 =	rddreg [dreg:$0x1];
	p0 =	sne.s32 s2, $0x0  }
0x6d: {  	s3 =	rddreg [dreg:$0x2];
	[bflag:$0x3] =	sbarrier.arrive $0xFFFF;
	s2 =	simm.s32 @!p0 $0x1C03  }
0x6e: {  	[timem:s3], [sflag:s2] =	dma.local @!p0 [hbm:s0], s1  }
0x6f: {  	s0 =	simm.s32 @!p0 $0x3  }
0x70: {  	_ =	swait.ge @!p0 [sflag:s0], s1  }
0x71: {  	s1 =	ssub.s32 @!p0 $0x0, s1;
	[sflag:s0] =	ssyncset.done @!p0 $0x0  }
0x72: {  	[sflag:s0] =	ssyncadd.s32 @!p0 s1  }
0x73: {  	[bflag:$0x3] =	sbarrier.arrive $0xFFFF  }
0x74: {  	_ =	shalt  }

</sc_bundles>
